<compile_context>
chip_gen: v7x
topology: tpu7x:2x2x1
jax: 0.10.2.dev20260603
libtpu: 0.0.44.dev20260713+nightly
codegen_flags: <defaults>
</compile_context>

<pallas_src>
import functools

import jax
import jax.numpy as jnp
from jax import lax
from jax.experimental import pallas as pl
from jax.experimental.pallas import tpu as pltpu
from jax.experimental.pallas import tpu_sc as plsc

BATCH = 1024
SEQ = 200
DIM = 128
LANES = 16
CH0 = 128
CH1 = SEQ - CH0
CHUNKS = ((0, CH0), (CH0, CH1))
NSLOT = 3


def _emb_body(
    x_hbm, pos_hbm, tok_hbm, out_hbm, pos_v, idx_v, rows_v,
    g00, g01, g10, g11, g20, g21, o0, o1, o2
):
    info = plsc.get_sparse_core_info()
    nc, ns = info.num_cores, info.num_subcores
    wid = lax.axis_index("s") * nc + lax.axis_index("c")
    per = BATCH // (nc * ns)
    base_b = wid * per
    gsems = ((g00, g01), (g10, g11), (g20, g21))
    osems = (o0, o1, o2)

    pltpu.sync_copy(x_hbm.at[pl.ds(base_b, per)], idx_v)

    def issue(i, slot):
        for c, (base, n) in enumerate(CHUNKS):
            pltpu.async_copy(
                tok_hbm.at[idx_v.at[i].at[pl.ds(base, n)]],
                rows_v.at[slot].at[pl.ds(base, n)],
                gsems[slot][c],
            )

    def process(i, slot):
        for c, (base, n) in enumerate(CHUNKS):
            pltpu.make_async_copy(
                tok_hbm.at[pl.ds(0, n)],
                rows_v.at[slot].at[pl.ds(base, n)],
                gsems[slot][c],
            ).wait()

            pltpu.async_copy(
                rows_v.at[slot].at[pl.ds(base, n)],
                out_hbm.at[base_b + i].at[pl.ds(base, n)],
                osems[slot],
            )

    def drain_wb(slot):
        pltpu.make_async_copy(
            tok_hbm.at[pl.ds(0, SEQ)], rows_v.at[slot], osems[slot]
        ).wait()

    issue(0, 0)
    issue(1, 1)
    pltpu.sync_copy(pos_hbm, pos_v)

    process(0, 0)
    issue(2, 2)
    process(1, 1)
    drain_wb(0)
    issue(3, 0)
    process(2, 2)
    drain_wb(1)
    issue(4, 1)

    def jbody(j, carry):
        a = 3 * j
        process(a, 0)
        drain_wb(2)
        issue(a + 2, 2)
        process(a + 1, 1)
        drain_wb(0)
        issue(a + 3, 0)
        process(a + 2, 2)
        drain_wb(1)
        issue(a + 4, 1)
        return carry

    lax.fori_loop(1, (per - 2) // NSLOT, jbody, 0)

    process(per - 2, 0)
    drain_wb(2)
    process(per - 1, 1)
    drain_wb(0)
    drain_wb(1)


@jax.jit
def _emb(x, pos_table, token_table):
    mesh = plsc.VectorSubcoreMesh(core_axis_name="c", subcore_axis_name="s")
    per = BATCH // 32
    fn = functools.partial(
        pl.kernel,
        mesh=mesh,
        out_type=jax.ShapeDtypeStruct((BATCH, SEQ, DIM), jnp.float32),
        scratch_types=[
            pltpu.VMEM((SEQ, DIM), jnp.float32),
            pltpu.VMEM((per, SEQ), jnp.int32),
            pltpu.VMEM((NSLOT, SEQ, DIM), jnp.float32),
            pltpu.SemaphoreType.DMA,
            pltpu.SemaphoreType.DMA,
            pltpu.SemaphoreType.DMA,
            pltpu.SemaphoreType.DMA,
            pltpu.SemaphoreType.DMA,
            pltpu.SemaphoreType.DMA,
            pltpu.SemaphoreType.DMA,
            pltpu.SemaphoreType.DMA,
            pltpu.SemaphoreType.DMA,
        ],
    )(_emb_body)
    return fn(x, pos_table, token_table)


def kernel(x, pos_table, token_table):
    return _emb(x.astype(jnp.int32), pos_table, token_table)

# --- scband reference (transcript-rebuilt; emitter-appended) ---
"""Pipeline reference for scband-embedding-layer-11312943857748 (READ-ONLY COPY).

The authoritative reference and input builder live on the scoring server;
editing this copy changes nothing except your own understanding.
"""

import jax, jax.numpy as jnp
import numpy as np

VOCAB = 100000
MAX_LEN = 200
DIM = 128
BATCH = 1024
SEQ = 200

def setup_inputs(seed: int = 0) -> dict:
    key = jax.random.key(seed)
    k1, k2, k3 = jax.random.split(key, 3)
    x = jax.random.randint(k1, (BATCH, SEQ), 0, VOCAB, dtype=jnp.int64 if jax.config.jax_enable_x64 else jnp.int32)
    pos_table = jax.random.normal(k2, (MAX_LEN, DIM), dtype=jnp.float32) * 0.02
    token_table = jax.random.normal(k3, (VOCAB, DIM), dtype=jnp.float32) * 0.02
    return {"x": x, "pos_table": pos_table, "token_table": token_table}

def reference(x, pos_table, token_table):
    seq_len = x.shape[1]
    position = jnp.arange(0, seq_len)
    position = position.reshape(1, -1)
    position = jnp.broadcast_to(position, x.shape)
    pos_emb = jnp.take(pos_table, position, axis=0)
    token_emb = jnp.take(token_table, x, axis=0)
    emb = pos_emb + token_emb
    return emb

if __name__ == "__main__":
    import jax
    _d = setup_inputs()
    print(jax.jit(kernel)(*tuple(_d.values())))

</pallas_src>

<mosaic_0001>
#map = affine_map<(d0, d1) -> (0, 0)>
#map1 = affine_map<(d0, d1) -> (0, 0, 0)>
module attributes {stable_mosaic.version = 14 : i64} {
  func.func @_emb_body(%arg0: i32, %arg1: i32, %arg2: memref<1024x200xi32, #tpu.memory_space<hbm>>, %arg3: memref<200x128xf32, #tpu.memory_space<hbm>>, %arg4: memref<100000x128xf32, #tpu.memory_space<hbm>>, %arg5: memref<1024x200x128xf32, #tpu.memory_space<hbm>>, %arg6: memref<200x128xf32, #tpu.memory_space<vmem>>, %arg7: memref<32x200xi32, #tpu.memory_space<vmem>>, %arg8: memref<3x200x128xf32, #tpu.memory_space<vmem>>, %arg9: memref<!tpu.dma_semaphore, #tpu.memory_space<semaphore_mem>>, %arg10: memref<!tpu.dma_semaphore, #tpu.memory_space<semaphore_mem>>, %arg11: memref<!tpu.dma_semaphore, #tpu.memory_space<semaphore_mem>>, %arg12: memref<!tpu.dma_semaphore, #tpu.memory_space<semaphore_mem>>, %arg13: memref<!tpu.dma_semaphore, #tpu.memory_space<semaphore_mem>>, %arg14: memref<!tpu.dma_semaphore, #tpu.memory_space<semaphore_mem>>, %arg15: memref<!tpu.dma_semaphore, #tpu.memory_space<semaphore_mem>>, %arg16: memref<!tpu.dma_semaphore, #tpu.memory_space<semaphore_mem>>, %arg17: memref<!tpu.dma_semaphore, #tpu.memory_space<semaphore_mem>>) attributes {dimension_semantics = [#tpu.dimension_semantics<core_parallel>, #tpu.dimension_semantics<subcore_parallel>], iteration_bounds = array<i64: 2, 16>, scalar_prefetch = 0 : i64, scratch_operands = 12 : i64, tpu.core_type = #tpu.core_type<sc_vector_subcore>, window_params = [{transform_indices = #map}, {transform_indices = #map}, {transform_indices = #map}, {transform_indices = #map1}]} {
    %mul3A = arith.constant 2 : i32
    %mul3A_0 = arith.muli %arg1, %mul3A : i32
    %add3A = arith.addi %mul3A_0, %arg0 : i32
    %mul3A_1 = arith.constant 32 : i32
    %mul3A_2 = arith.muli %add3A, %mul3A_1 : i32
    "tpu.region"() ({
      %run_scoped3A = tpu.sem_alloc : memref<!tpu.dma_semaphore, #tpu.memory_space<semaphore_mem>>
      %dma_start3A_771 = arith.constant 0 : i32
      %dma_start3A_772 = tpu.memref_slice %arg2[%mul3A_2, %dma_start3A_771] : memref<1024x200xi32, #tpu.memory_space<hbm>> -> memref<32x200xi32, #tpu.memory_space<hbm>>
      %dma_start3A_773 = arith.constant 0 : i32
      %dma_start3A_774 = tpu.memref_slice %arg2[%mul3A_2, %dma_start3A_773] : memref<1024x200xi32, #tpu.memory_space<hbm>> -> memref<32x200xi32, #tpu.memory_space<hbm>>
      tpu.enqueue_dma source(%dma_start3A_774 : memref<32x200xi32, #tpu.memory_space<hbm>>) target(%arg7 : memref<32x200xi32, #tpu.memory_space<vmem>>) target_semaphore(%run_scoped3A : memref<!tpu.dma_semaphore, #tpu.memory_space<semaphore_mem>>)
      %dma_wait3A_775 = arith.constant 0 : i32
      %dma_wait3A_776 = tpu.memref_slice %arg2[%mul3A_2, %dma_wait3A_775] : memref<1024x200xi32, #tpu.memory_space<hbm>> -> memref<32x200xi32, #tpu.memory_space<hbm>>
      %dma_wait3A_777 = arith.constant 0 : i32
      %dma_wait3A_778 = tpu.memref_slice %arg2[%mul3A_2, %dma_wait3A_777] : memref<1024x200xi32, #tpu.memory_space<hbm>> -> memref<32x200xi32, #tpu.memory_space<hbm>>
      tpu.wait_dma2 semaphore(%run_scoped3A : memref<!tpu.dma_semaphore, #tpu.memory_space<semaphore_mem>>) src(%dma_wait3A_778 : memref<32x200xi32, #tpu.memory_space<hbm>>) dst(%arg7 : memref<32x200xi32, #tpu.memory_space<vmem>>)
      tpu.yield
    }) : () -> ()
    %dma_start3A = arith.constant 0 : i32
    %dma_start3A_3 = arith.constant 0 : i32
    %dma_start3A_4 = arith.constant 0 : i32
    %dma_start3A_5 = arith.constant 0 : i32
    %dma_start3A_6 = tpu.memref_slice %arg8[%dma_start3A_3, %dma_start3A_4, %dma_start3A_5] : memref<3x200x128xf32, #tpu.memory_space<vmem>> -> memref<1x200x128xf32, #tpu.memory_space<vmem>>
    %dma_start3A_7 = tpu.memref_squeeze %dma_start3A_6 : memref<1x200x128xf32, #tpu.memory_space<vmem>> -> memref<200x128xf32, #tpu.memory_space<vmem>>
    %dma_start3A_8 = arith.constant 0 : i32
    %dma_start3A_9 = arith.constant 0 : i32
    %dma_start3A_10 = tpu.memref_slice %dma_start3A_7[%dma_start3A_8, %dma_start3A_9] : memref<200x128xf32, #tpu.memory_space<vmem>> -> memref<128x128xf32, #tpu.memory_space<vmem>>
    %dma_start3A_11 = arith.constant 0 : i32
    %dma_start3A_12 = tpu.memref_slice %arg7[%dma_start3A, %dma_start3A_11] : memref<32x200xi32, #tpu.memory_space<vmem>> -> memref<1x200xi32, #tpu.memory_space<vmem>>
    %dma_start3A_13 = tpu.memref_squeeze %dma_start3A_12 : memref<1x200xi32, #tpu.memory_space<vmem>> -> memref<200xi32, #tpu.memory_space<vmem>>
    %dma_start3A_14 = arith.constant 0 : i32
    %dma_start3A_15 = tpu.memref_slice %dma_start3A_13[%dma_start3A_14] : memref<200xi32, #tpu.memory_space<vmem>> -> memref<128xi32, #tpu.memory_space<vmem>>
    %dma_start3A_16 = arith.constant 0 : i32
    %dma_start3A_17 = arith.constant 0 : i32
    %dma_start3A_18 = tpu.memref_slice %arg4[%dma_start3A_16, %dma_start3A_17] : memref<100000x128xf32, #tpu.memory_space<hbm>> -> memref<100000x128xf32, #tpu.memory_space<hbm>>
    tpu.enqueue_indirect_dma source(%dma_start3A_18 : memref<100000x128xf32, #tpu.memory_space<hbm>>) target(%dma_start3A_10 : memref<128x128xf32, #tpu.memory_space<vmem>>) offsets(%dma_start3A_15 : memref<128xi32, #tpu.memory_space<vmem>>) semaphore(%arg9 : memref<!tpu.dma_semaphore, #tpu.memory_space<semaphore_mem>>)
    %dma_start3A_19 = arith.constant 0 : i32
    %dma_start3A_20 = arith.constant 0 : i32
    %dma_start3A_21 = arith.constant 0 : i32
    %dma_start3A_22 = arith.constant 0 : i32
    %dma_start3A_23 = tpu.memref_slice %arg8[%dma_start3A_20, %dma_start3A_21, %dma_start3A_22] : memref<3x200x128xf32, #tpu.memory_space<vmem>> -> memref<1x200x128xf32, #tpu.memory_space<vmem>>
    %dma_start3A_24 = tpu.memref_squeeze %dma_start3A_23 : memref<1x200x128xf32, #tpu.memory_space<vmem>> -> memref<200x128xf32, #tpu.memory_space<vmem>>
    %dma_start3A_25 = arith.constant 128 : i32
    %dma_start3A_26 = arith.constant 0 : i32
    %dma_start3A_27 = tpu.memref_slice %dma_start3A_24[%dma_start3A_25, %dma_start3A_26] : memref<200x128xf32, #tpu.memory_space<vmem>> -> memref<72x128xf32, #tpu.memory_space<vmem>>
    %dma_start3A_28 = arith.constant 0 : i32
    %dma_start3A_29 = tpu.memref_slice %arg7[%dma_start3A_19, %dma_start3A_28] : memref<32x200xi32, #tpu.memory_space<vmem>> -> memref<1x200xi32, #tpu.memory_space<vmem>>
    %dma_start3A_30 = tpu.memref_squeeze %dma_start3A_29 : memref<1x200xi32, #tpu.memory_space<vmem>> -> memref<200xi32, #tpu.memory_space<vmem>>
    %dma_start3A_31 = arith.constant 128 : i32
    %dma_start3A_32 = tpu.memref_slice %dma_start3A_30[%dma_start3A_31] : memref<200xi32, #tpu.memory_space<vmem>> -> memref<72xi32, #tpu.memory_space<vmem>>
    %dma_start3A_33 = arith.constant 0 : i32
    %dma_start3A_34 = arith.constant 0 : i32
    %dma_start3A_35 = tpu.memref_slice %arg4[%dma_start3A_33, %dma_start3A_34] : memref<100000x128xf32, #tpu.memory_space<hbm>> -> memref<100000x128xf32, #tpu.memory_space<hbm>>
    tpu.enqueue_indirect_dma source(%dma_start3A_35 : memref<100000x128xf32, #tpu.memory_space<hbm>>) target(%dma_start3A_27 : memref<72x128xf32, #tpu.memory_space<vmem>>) offsets(%dma_start3A_32 : memref<72xi32, #tpu.memory_space<vmem>>) semaphore(%arg10 : memref<!tpu.dma_semaphore, #tpu.memory_space<semaphore_mem>>)
    %dma_start3A_36 = arith.constant 1 : i32
    %dma_start3A_37 = arith.constant 1 : i32
    %dma_start3A_38 = arith.constant 0 : i32
    %dma_start3A_39 = arith.constant 0 : i32
    %dma_start3A_40 = tpu.memref_slice %arg8[%dma_start3A_37, %dma_start3A_38, %dma_start3A_39] : memref<3x200x128xf32, #tpu.memory_space<vmem>> -> memref<1x200x128xf32, #tpu.memory_space<vmem>>
    %dma_start3A_41 = tpu.memref_squeeze %dma_start3A_40 : memref<1x200x128xf32, #tpu.memory_space<vmem>> -> memref<200x128xf32, #tpu.memory_space<vmem>>
    %dma_start3A_42 = arith.constant 0 : i32
    %dma_start3A_43 = arith.constant 0 : i32
    %dma_start3A_44 = tpu.memref_slice %dma_start3A_41[%dma_start3A_42, %dma_start3A_43] : memref<200x128xf32, #tpu.memory_space<vmem>> -> memref<128x128xf32, #tpu.memory_space<vmem>>
    %dma_start3A_45 = arith.constant 0 : i32
    %dma_start3A_46 = tpu.memref_slice %arg7[%dma_start3A_36, %dma_start3A_45] : memref<32x200xi32, #tpu.memory_space<vmem>> -> memref<1x200xi32, #tpu.memory_space<vmem>>
    %dma_start3A_47 = tpu.memref_squeeze %dma_start3A_46 : memref<1x200xi32, #tpu.memory_space<vmem>> -> memref<200xi32, #tpu.memory_space<vmem>>
    %dma_start3A_48 = arith.constant 0 : i32
    %dma_start3A_49 = tpu.memref_slice %dma_start3A_47[%dma_start3A_48] : memref<200xi32, #tpu.memory_space<vmem>> -> memref<128xi32, #tpu.memory_space<vmem>>
    %dma_start3A_50 = arith.constant 0 : i32
    %dma_start3A_51 = arith.constant 0 : i32
    %dma_start3A_52 = tpu.memref_slice %arg4[%dma_start3A_50, %dma_start3A_51] : memref<100000x128xf32, #tpu.memory_space<hbm>> -> memref<100000x128xf32, #tpu.memory_space<hbm>>
    tpu.enqueue_indirect_dma source(%dma_start3A_52 : memref<100000x128xf32, #tpu.memory_space<hbm>>) target(%dma_start3A_44 : memref<128x128xf32, #tpu.memory_space<vmem>>) offsets(%dma_start3A_49 : memref<128xi32, #tpu.memory_space<vmem>>) semaphore(%arg11 : memref<!tpu.dma_semaphore, #tpu.memory_space<semaphore_mem>>)
    %dma_start3A_53 = arith.constant 1 : i32
    %dma_start3A_54 = arith.constant 1 : i32
    %dma_start3A_55 = arith.constant 0 : i32
    %dma_start3A_56 = arith.constant 0 : i32
    %dma_start3A_57 = tpu.memref_slice %arg8[%dma_start3A_54, %dma_start3A_55, %dma_start3A_56] : memref<3x200x128xf32, #tpu.memory_space<vmem>> -> memref<1x200x128xf32, #tpu.memory_space<vmem>>
    %dma_start3A_58 = tpu.memref_squeeze %dma_start3A_57 : memref<1x200x128xf32, #tpu.memory_space<vmem>> -> memref<200x128xf32, #tpu.memory_space<vmem>>
    %dma_start3A_59 = arith.constant 128 : i32
    %dma_start3A_60 = arith.constant 0 : i32
    %dma_start3A_61 = tpu.memref_slice %dma_start3A_58[%dma_start3A_59, %dma_start3A_60] : memref<200x128xf32, #tpu.memory_space<vmem>> -> memref<72x128xf32, #tpu.memory_space<vmem>>
    %dma_start3A_62 = arith.constant 0 : i32
    %dma_start3A_63 = tpu.memref_slice %arg7[%dma_start3A_53, %dma_start3A_62] : memref<32x200xi32, #tpu.memory_space<vmem>> -> memref<1x200xi32, #tpu.memory_space<vmem>>
    %dma_start3A_64 = tpu.memref_squeeze %dma_start3A_63 : memref<1x200xi32, #tpu.memory_space<vmem>> -> memref<200xi32, #tpu.memory_space<vmem>>
    %dma_start3A_65 = arith.constant 128 : i32
    %dma_start3A_66 = tpu.memref_slice %dma_start3A_64[%dma_start3A_65] : memref<200xi32, #tpu.memory_space<vmem>> -> memref<72xi32, #tpu.memory_space<vmem>>
    %dma_start3A_67 = arith.constant 0 : i32
    %dma_start3A_68 = arith.constant 0 : i32
    %dma_start3A_69 = tpu.memref_slice %arg4[%dma_start3A_67, %dma_start3A_68] : memref<100000x128xf32, #tpu.memory_space<hbm>> -> memref<100000x128xf32, #tpu.memory_space<hbm>>
    tpu.enqueue_indirect_dma source(%dma_start3A_69 : memref<100000x128xf32, #tpu.memory_space<hbm>>) target(%dma_start3A_61 : memref<72x128xf32, #tpu.memory_space<vmem>>) offsets(%dma_start3A_66 : memref<72xi32, #tpu.memory_space<vmem>>) semaphore(%arg12 : memref<!tpu.dma_semaphore, #tpu.memory_space<semaphore_mem>>)
    "tpu.region"() ({
      %run_scoped3A = tpu.sem_alloc : memref<!tpu.dma_semaphore, #tpu.memory_space<semaphore_mem>>
      tpu.enqueue_dma source(%arg3 : memref<200x128xf32, #tpu.memory_space<hbm>>) target(%arg6 : memref<200x128xf32, #tpu.memory_space<vmem>>) target_semaphore(%run_scoped3A : memref<!tpu.dma_semaphore, #tpu.memory_space<semaphore_mem>>)
      tpu.wait_dma2 semaphore(%run_scoped3A : memref<!tpu.dma_semaphore, #tpu.memory_space<semaphore_mem>>) src(%arg3 : memref<200x128xf32, #tpu.memory_space<hbm>>) dst(%arg6 : memref<200x128xf32, #tpu.memory_space<vmem>>)
      tpu.yield
    }) : () -> ()
    %dma_wait3A = arith.constant 0 : i32
    %dma_wait3A_70 = arith.constant 0 : i32
    %dma_wait3A_71 = arith.constant 0 : i32
    %dma_wait3A_72 = tpu.memref_slice %arg8[%dma_wait3A, %dma_wait3A_70, %dma_wait3A_71] : memref<3x200x128xf32, #tpu.memory_space<vmem>> -> memref<1x200x128xf32, #tpu.memory_space<vmem>>
    %dma_wait3A_73 = tpu.memref_squeeze %dma_wait3A_72 : memref<1x200x128xf32, #tpu.memory_space<vmem>> -> memref<200x128xf32, #tpu.memory_space<vmem>>
    %dma_wait3A_74 = arith.constant 0 : i32
    %dma_wait3A_75 = arith.constant 0 : i32
    %dma_wait3A_76 = tpu.memref_slice %dma_wait3A_73[%dma_wait3A_74, %dma_wait3A_75] : memref<200x128xf32, #tpu.memory_space<vmem>> -> memref<128x128xf32, #tpu.memory_space<vmem>>
    %dma_wait3A_77 = arith.constant 0 : i32
    %dma_wait3A_78 = arith.constant 0 : i32
    %dma_wait3A_79 = tpu.memref_slice %arg4[%dma_wait3A_77, %dma_wait3A_78] : memref<100000x128xf32, #tpu.memory_space<hbm>> -> memref<128x128xf32, #tpu.memory_space<hbm>>
    %dma_wait3A_80 = arith.constant 0 : i32
    %dma_wait3A_81 = arith.constant 0 : i32
    %dma_wait3A_82 = tpu.memref_slice %arg8[%dma_wait3A, %dma_wait3A_80, %dma_wait3A_81] : memref<3x200x128xf32, #tpu.memory_space<vmem>> -> memref<1x200x128xf32, #tpu.memory_space<vmem>>
    %dma_wait3A_83 = tpu.memref_squeeze %dma_wait3A_82 : memref<1x200x128xf32, #tpu.memory_space<vmem>> -> memref<200x128xf32, #tpu.memory_space<vmem>>
    %dma_wait3A_84 = arith.constant 0 : i32
    %dma_wait3A_85 = arith.constant 0 : i32
    %dma_wait3A_86 = tpu.memref_slice %dma_wait3A_83[%dma_wait3A_84, %dma_wait3A_85] : memref<200x128xf32, #tpu.memory_space<vmem>> -> memref<128x128xf32, #tpu.memory_space<vmem>>
    %dma_wait3A_87 = arith.constant 0 : i32
    %dma_wait3A_88 = arith.constant 0 : i32
    %dma_wait3A_89 = tpu.memref_slice %arg4[%dma_wait3A_87, %dma_wait3A_88] : memref<100000x128xf32, #tpu.memory_space<hbm>> -> memref<128x128xf32, #tpu.memory_space<hbm>>
    tpu.wait_dma2 semaphore(%arg9 : memref<!tpu.dma_semaphore, #tpu.memory_space<semaphore_mem>>) src(%dma_wait3A_89 : memref<128x128xf32, #tpu.memory_space<hbm>>) dst(%dma_wait3A_86 : memref<128x128xf32, #tpu.memory_space<vmem>>)
    %add3A_90 = arith.constant 0 : i32
    %add3A_91 = arith.addi %mul3A_2, %add3A_90 : i32
    %dma_start3A_92 = arith.constant 0 : i32
    %dma_start3A_93 = arith.constant 0 : i32
    %dma_start3A_94 = arith.constant 0 : i32
    %dma_start3A_95 = tpu.memref_slice %arg8[%dma_start3A_92, %dma_start3A_93, %dma_start3A_94] : memref<3x200x128xf32, #tpu.memory_space<vmem>> -> memref<1x200x128xf32, #tpu.memory_space<vmem>>
    %dma_start3A_96 = tpu.memref_squeeze %dma_start3A_95 : memref<1x200x128xf32, #tpu.memory_space<vmem>> -> memref<200x128xf32, #tpu.memory_space<vmem>>
    %dma_start3A_97 = arith.constant 0 : i32
    %dma_start3A_98 = arith.constant 0 : i32
    %dma_start3A_99 = tpu.memref_slice %dma_start3A_96[%dma_start3A_97, %dma_start3A_98] : memref<200x128xf32, #tpu.memory_space<vmem>> -> memref<128x128xf32, #tpu.memory_space<vmem>>
    %dma_start3A_100 = arith.constant 0 : i32
    %dma_start3A_101 = arith.constant 0 : i32
    %dma_start3A_102 = tpu.memref_slice %arg5[%add3A_91, %dma_start3A_100, %dma_start3A_101] : memref<1024x200x128xf32, #tpu.memory_space<hbm>> -> memref<1x200x128xf32, #tpu.memory_space<hbm>>
    %dma_start3A_103 = tpu.memref_squeeze %dma_start3A_102 : memref<1x200x128xf32, #tpu.memory_space<hbm>> -> memref<200x128xf32, #tpu.memory_space<hbm>>
    %dma_start3A_104 = arith.constant 0 : i32
    %dma_start3A_105 = arith.constant 0 : i32
    %dma_start3A_106 = tpu.memref_slice %dma_start3A_103[%dma_start3A_104, %dma_start3A_105] : memref<200x128xf32, #tpu.memory_space<hbm>> -> memref<128x128xf32, #tpu.memory_space<hbm>>
    %dma_start3A_107 = arith.constant 0 : i32
    %dma_start3A_108 = arith.constant 0 : i32
    %dma_start3A_109 = tpu.memref_slice %arg5[%add3A_91, %dma_start3A_107, %dma_start3A_108] : memref<1024x200x128xf32, #tpu.memory_space<hbm>> -> memref<1x200x128xf32, #tpu.memory_space<hbm>>
    %dma_start3A_110 = tpu.memref_squeeze %dma_start3A_109 : memref<1x200x128xf32, #tpu.memory_space<hbm>> -> memref<200x128xf32, #tpu.memory_space<hbm>>
    %dma_start3A_111 = arith.constant 0 : i32
    %dma_start3A_112 = arith.constant 0 : i32
    %dma_start3A_113 = tpu.memref_slice %dma_start3A_110[%dma_start3A_111, %dma_start3A_112] : memref<200x128xf32, #tpu.memory_space<hbm>> -> memref<128x128xf32, #tpu.memory_space<hbm>>
    %dma_start3A_114 = arith.constant 0 : i32
    %dma_start3A_115 = arith.constant 0 : i32
    %dma_start3A_116 = tpu.memref_slice %arg8[%dma_start3A_92, %dma_start3A_114, %dma_start3A_115] : memref<3x200x128xf32, #tpu.memory_space<vmem>> -> memref<1x200x128xf32, #tpu.memory_space<vmem>>
    %dma_start3A_117 = tpu.memref_squeeze %dma_start3A_116 : memref<1x200x128xf32, #tpu.memory_space<vmem>> -> memref<200x128xf32, #tpu.memory_space<vmem>>
    %dma_start3A_118 = arith.constant 0 : i32
    %dma_start3A_119 = arith.constant 0 : i32
    %dma_start3A_120 = tpu.memref_slice %dma_start3A_117[%dma_start3A_118, %dma_start3A_119] : memref<200x128xf32, #tpu.memory_space<vmem>> -> memref<128x128xf32, #tpu.memory_space<vmem>>
    tpu.enqueue_dma source(%dma_start3A_120 : memref<128x128xf32, #tpu.memory_space<vmem>>) target(%dma_start3A_113 : memref<128x128xf32, #tpu.memory_space<hbm>>) target_semaphore(%arg15 : memref<!tpu.dma_semaphore, #tpu.memory_space<semaphore_mem>>)
    %dma_wait3A_121 = arith.constant 0 : i32
    %dma_wait3A_122 = arith.constant 0 : i32
    %dma_wait3A_123 = arith.constant 0 : i32
    %dma_wait3A_124 = tpu.memref_slice %arg8[%dma_wait3A_121, %dma_wait3A_122, %dma_wait3A_123] : memref<3x200x128xf32, #tpu.memory_space<vmem>> -> memref<1x200x128xf32, #tpu.memory_space<vmem>>
    %dma_wait3A_125 = tpu.memref_squeeze %dma_wait3A_124 : memref<1x200x128xf32, #tpu.memory_space<vmem>> -> memref<200x128xf32, #tpu.memory_space<vmem>>
    %dma_wait3A_126 = arith.constant 128 : i32
    %dma_wait3A_127 = arith.constant 0 : i32
    %dma_wait3A_128 = tpu.memref_slice %dma_wait3A_125[%dma_wait3A_126, %dma_wait3A_127] : memref<200x128xf32, #tpu.memory_space<vmem>> -> memref<72x128xf32, #tpu.memory_space<vmem>>
    %dma_wait3A_129 = arith.constant 0 : i32
    %dma_wait3A_130 = arith.constant 0 : i32
    %dma_wait3A_131 = tpu.memref_slice %arg4[%dma_wait3A_129, %dma_wait3A_130] : memref<100000x128xf32, #tpu.memory_space<hbm>> -> memref<72x128xf32, #tpu.memory_space<hbm>>
    %dma_wait3A_132 = arith.constant 0 : i32
    %dma_wait3A_133 = arith.constant 0 : i32
    %dma_wait3A_134 = tpu.memref_slice %arg8[%dma_wait3A_121, %dma_wait3A_132, %dma_wait3A_133] : memref<3x200x128xf32, #tpu.memory_space<vmem>> -> memref<1x200x128xf32, #tpu.memory_space<vmem>>
    %dma_wait3A_135 = tpu.memref_squeeze %dma_wait3A_134 : memref<1x200x128xf32, #tpu.memory_space<vmem>> -> memref<200x128xf32, #tpu.memory_space<vmem>>
    %dma_wait3A_136 = arith.constant 128 : i32
    %dma_wait3A_137 = arith.constant 0 : i32
    %dma_wait3A_138 = tpu.memref_slice %dma_wait3A_135[%dma_wait3A_136, %dma_wait3A_137] : memref<200x128xf32, #tpu.memory_space<vmem>> -> memref<72x128xf32, #tpu.memory_space<vmem>>
    %dma_wait3A_139 = arith.constant 0 : i32
    %dma_wait3A_140 = arith.constant 0 : i32
    %dma_wait3A_141 = tpu.memref_slice %arg4[%dma_wait3A_139, %dma_wait3A_140] : memref<100000x128xf32, #tpu.memory_space<hbm>> -> memref<72x128xf32, #tpu.memory_space<hbm>>
    tpu.wait_dma2 semaphore(%arg10 : memref<!tpu.dma_semaphore, #tpu.memory_space<semaphore_mem>>) src(%dma_wait3A_141 : memref<72x128xf32, #tpu.memory_space<hbm>>) dst(%dma_wait3A_138 : memref<72x128xf32, #tpu.memory_space<vmem>>)
    %add3A_142 = arith.constant 0 : i32
    %add3A_143 = arith.addi %mul3A_2, %add3A_142 : i32
    %dma_start3A_144 = arith.constant 0 : i32
    %dma_start3A_145 = arith.constant 0 : i32
    %dma_start3A_146 = arith.constant 0 : i32
    %dma_start3A_147 = tpu.memref_slice %arg8[%dma_start3A_144, %dma_start3A_145, %dma_start3A_146] : memref<3x200x128xf32, #tpu.memory_space<vmem>> -> memref<1x200x128xf32, #tpu.memory_space<vmem>>
    %dma_start3A_148 = tpu.memref_squeeze %dma_start3A_147 : memref<1x200x128xf32, #tpu.memory_space<vmem>> -> memref<200x128xf32, #tpu.memory_space<vmem>>
    %dma_start3A_149 = arith.constant 128 : i32
    %dma_start3A_150 = arith.constant 0 : i32
    %dma_start3A_151 = tpu.memref_slice %dma_start3A_148[%dma_start3A_149, %dma_start3A_150] : memref<200x128xf32, #tpu.memory_space<vmem>> -> memref<72x128xf32, #tpu.memory_space<vmem>>
    %dma_start3A_152 = arith.constant 0 : i32
    %dma_start3A_153 = arith.constant 0 : i32
    %dma_start3A_154 = tpu.memref_slice %arg5[%add3A_143, %dma_start3A_152, %dma_start3A_153] : memref<1024x200x128xf32, #tpu.memory_space<hbm>> -> memref<1x200x128xf32, #tpu.memory_space<hbm>>
    %dma_start3A_155 = tpu.memref_squeeze %dma_start3A_154 : memref<1x200x128xf32, #tpu.memory_space<hbm>> -> memref<200x128xf32, #tpu.memory_space<hbm>>
    %dma_start3A_156 = arith.constant 128 : i32
    %dma_start3A_157 = arith.constant 0 : i32
    %dma_start3A_158 = tpu.memref_slice %dma_start3A_155[%dma_start3A_156, %dma_start3A_157] : memref<200x128xf32, #tpu.memory_space<hbm>> -> memref<72x128xf32, #tpu.memory_space<hbm>>
    %dma_start3A_159 = arith.constant 0 : i32
    %dma_start3A_160 = arith.constant 0 : i32
    %dma_start3A_161 = tpu.memref_slice %arg5[%add3A_143, %dma_start3A_159, %dma_start3A_160] : memref<1024x200x128xf32, #tpu.memory_space<hbm>> -> memref<1x200x128xf32, #tpu.memory_space<hbm>>
    %dma_start3A_162 = tpu.memref_squeeze %dma_start3A_161 : memref<1x200x128xf32, #tpu.memory_space<hbm>> -> memref<200x128xf32, #tpu.memory_space<hbm>>
    %dma_start3A_163 = arith.constant 128 : i32
    %dma_start3A_164 = arith.constant 0 : i32
    %dma_start3A_165 = tpu.memref_slice %dma_start3A_162[%dma_start3A_163, %dma_start3A_164] : memref<200x128xf32, #tpu.memory_space<hbm>> -> memref<72x128xf32, #tpu.memory_space<hbm>>
    %dma_start3A_166 = arith.constant 0 : i32
    %dma_start3A_167 = arith.constant 0 : i32
    %dma_start3A_168 = tpu.memref_slice %arg8[%dma_start3A_144, %dma_start3A_166, %dma_start3A_167] : memref<3x200x128xf32, #tpu.memory_space<vmem>> -> memref<1x200x128xf32, #tpu.memory_space<vmem>>
    %dma_start3A_169 = tpu.memref_squeeze %dma_start3A_168 : memref<1x200x128xf32, #tpu.memory_space<vmem>> -> memref<200x128xf32, #tpu.memory_space<vmem>>
    %dma_start3A_170 = arith.constant 128 : i32
    %dma_start3A_171 = arith.constant 0 : i32
    %dma_start3A_172 = tpu.memref_slice %dma_start3A_169[%dma_start3A_170, %dma_start3A_171] : memref<200x128xf32, #tpu.memory_space<vmem>> -> memref<72x128xf32, #tpu.memory_space<vmem>>
    tpu.enqueue_dma source(%dma_start3A_172 : memref<72x128xf32, #tpu.memory_space<vmem>>) target(%dma_start3A_165 : memref<72x128xf32, #tpu.memory_space<hbm>>) target_semaphore(%arg15 : memref<!tpu.dma_semaphore, #tpu.memory_space<semaphore_mem>>)
    %dma_start3A_173 = arith.constant 2 : i32
    %dma_start3A_174 = arith.constant 2 : i32
    %dma_start3A_175 = arith.constant 0 : i32
    %dma_start3A_176 = arith.constant 0 : i32
    %dma_start3A_177 = tpu.memref_slice %arg8[%dma_start3A_174, %dma_start3A_175, %dma_start3A_176] : memref<3x200x128xf32, #tpu.memory_space<vmem>> -> memref<1x200x128xf32, #tpu.memory_space<vmem>>
    %dma_start3A_178 = tpu.memref_squeeze %dma_start3A_177 : memref<1x200x128xf32, #tpu.memory_space<vmem>> -> memref<200x128xf32, #tpu.memory_space<vmem>>
    %dma_start3A_179 = arith.constant 0 : i32
    %dma_start3A_180 = arith.constant 0 : i32
    %dma_start3A_181 = tpu.memref_slice %dma_start3A_178[%dma_start3A_179, %dma_start3A_180] : memref<200x128xf32, #tpu.memory_space<vmem>> -> memref<128x128xf32, #tpu.memory_space<vmem>>
    %dma_start3A_182 = arith.constant 0 : i32
    %dma_start3A_183 = tpu.memref_slice %arg7[%dma_start3A_173, %dma_start3A_182] : memref<32x200xi32, #tpu.memory_space<vmem>> -> memref<1x200xi32, #tpu.memory_space<vmem>>
    %dma_start3A_184 = tpu.memref_squeeze %dma_start3A_183 : memref<1x200xi32, #tpu.memory_space<vmem>> -> memref<200xi32, #tpu.memory_space<vmem>>
    %dma_start3A_185 = arith.constant 0 : i32
    %dma_start3A_186 = tpu.memref_slice %dma_start3A_184[%dma_start3A_185] : memref<200xi32, #tpu.memory_space<vmem>> -> memref<128xi32, #tpu.memory_space<vmem>>
    %dma_start3A_187 = arith.constant 0 : i32
    %dma_start3A_188 = arith.constant 0 : i32
    %dma_start3A_189 = tpu.memref_slice %arg4[%dma_start3A_187, %dma_start3A_188] : memref<100000x128xf32, #tpu.memory_space<hbm>> -> memref<100000x128xf32, #tpu.memory_space<hbm>>
    tpu.enqueue_indirect_dma source(%dma_start3A_189 : memref<100000x128xf32, #tpu.memory_space<hbm>>) target(%dma_start3A_181 : memref<128x128xf32, #tpu.memory_space<vmem>>) offsets(%dma_start3A_186 : memref<128xi32, #tpu.memory_space<vmem>>) semaphore(%arg13 : memref<!tpu.dma_semaphore, #tpu.memory_space<semaphore_mem>>)
    %dma_start3A_190 = arith.constant 2 : i32
    %dma_start3A_191 = arith.constant 2 : i32
    %dma_start3A_192 = arith.constant 0 : i32
    %dma_start3A_193 = arith.constant 0 : i32
    %dma_start3A_194 = tpu.memref_slice %arg8[%dma_start3A_191, %dma_start3A_192, %dma_start3A_193] : memref<3x200x128xf32, #tpu.memory_space<vmem>> -> memref<1x200x128xf32, #tpu.memory_space<vmem>>
    %dma_start3A_195 = tpu.memref_squeeze %dma_start3A_194 : memref<1x200x128xf32, #tpu.memory_space<vmem>> -> memref<200x128xf32, #tpu.memory_space<vmem>>
    %dma_start3A_196 = arith.constant 128 : i32
    %dma_start3A_197 = arith.constant 0 : i32
    %dma_start3A_198 = tpu.memref_slice %dma_start3A_195[%dma_start3A_196, %dma_start3A_197] : memref<200x128xf32, #tpu.memory_space<vmem>> -> memref<72x128xf32, #tpu.memory_space<vmem>>
    %dma_start3A_199 = arith.constant 0 : i32
    %dma_start3A_200 = tpu.memref_slice %arg7[%dma_start3A_190, %dma_start3A_199] : memref<32x200xi32, #tpu.memory_space<vmem>> -> memref<1x200xi32, #tpu.memory_space<vmem>>
    %dma_start3A_201 = tpu.memref_squeeze %dma_start3A_200 : memref<1x200xi32, #tpu.memory_space<vmem>> -> memref<200xi32, #tpu.memory_space<vmem>>
    %dma_start3A_202 = arith.constant 128 : i32
    %dma_start3A_203 = tpu.memref_slice %dma_start3A_201[%dma_start3A_202] : memref<200xi32, #tpu.memory_space<vmem>> -> memref<72xi32, #tpu.memory_space<vmem>>
    %dma_start3A_204 = arith.constant 0 : i32
    %dma_start3A_205 = arith.constant 0 : i32
    %dma_start3A_206 = tpu.memref_slice %arg4[%dma_start3A_204, %dma_start3A_205] : memref<100000x128xf32, #tpu.memory_space<hbm>> -> memref<100000x128xf32, #tpu.memory_space<hbm>>
    tpu.enqueue_indirect_dma source(%dma_start3A_206 : memref<100000x128xf32, #tpu.memory_space<hbm>>) target(%dma_start3A_198 : memref<72x128xf32, #tpu.memory_space<vmem>>) offsets(%dma_start3A_203 : memref<72xi32, #tpu.memory_space<vmem>>) semaphore(%arg14 : memref<!tpu.dma_semaphore, #tpu.memory_space<semaphore_mem>>)
    %dma_wait3A_207 = arith.constant 1 : i32
    %dma_wait3A_208 = arith.constant 0 : i32
    %dma_wait3A_209 = arith.constant 0 : i32
    %dma_wait3A_210 = tpu.memref_slice %arg8[%dma_wait3A_207, %dma_wait3A_208, %dma_wait3A_209] : memref<3x200x128xf32, #tpu.memory_space<vmem>> -> memref<1x200x128xf32, #tpu.memory_space<vmem>>
    %dma_wait3A_211 = tpu.memref_squeeze %dma_wait3A_210 : memref<1x200x128xf32, #tpu.memory_space<vmem>> -> memref<200x128xf32, #tpu.memory_space<vmem>>
    %dma_wait3A_212 = arith.constant 0 : i32
    %dma_wait3A_213 = arith.constant 0 : i32
    %dma_wait3A_214 = tpu.memref_slice %dma_wait3A_211[%dma_wait3A_212, %dma_wait3A_213] : memref<200x128xf32, #tpu.memory_space<vmem>> -> memref<128x128xf32, #tpu.memory_space<vmem>>
    %dma_wait3A_215 = arith.constant 0 : i32
    %dma_wait3A_216 = arith.constant 0 : i32
    %dma_wait3A_217 = tpu.memref_slice %arg4[%dma_wait3A_215, %dma_wait3A_216] : memref<100000x128xf32, #tpu.memory_space<hbm>> -> memref<128x128xf32, #tpu.memory_space<hbm>>
    %dma_wait3A_218 = arith.constant 0 : i32
    %dma_wait3A_219 = arith.constant 0 : i32
    %dma_wait3A_220 = tpu.memref_slice %arg8[%dma_wait3A_207, %dma_wait3A_218, %dma_wait3A_219] : memref<3x200x128xf32, #tpu.memory_space<vmem>> -> memref<1x200x128xf32, #tpu.memory_space<vmem>>
    %dma_wait3A_221 = tpu.memref_squeeze %dma_wait3A_220 : memref<1x200x128xf32, #tpu.memory_space<vmem>> -> memref<200x128xf32, #tpu.memory_space<vmem>>
    %dma_wait3A_222 = arith.constant 0 : i32
    %dma_wait3A_223 = arith.constant 0 : i32
    %dma_wait3A_224 = tpu.memref_slice %dma_wait3A_221[%dma_wait3A_222, %dma_wait3A_223] : memref<200x128xf32, #tpu.memory_space<vmem>> -> memref<128x128xf32, #tpu.memory_space<vmem>>
    %dma_wait3A_225 = arith.constant 0 : i32
    %dma_wait3A_226 = arith.constant 0 : i32
    %dma_wait3A_227 = tpu.memref_slice %arg4[%dma_wait3A_225, %dma_wait3A_226] : memref<100000x128xf32, #tpu.memory_space<hbm>> -> memref<128x128xf32, #tpu.memory_space<hbm>>
    tpu.wait_dma2 semaphore(%arg11 : memref<!tpu.dma_semaphore, #tpu.memory_space<semaphore_mem>>) src(%dma_wait3A_227 : memref<128x128xf32, #tpu.memory_space<hbm>>) dst(%dma_wait3A_224 : memref<128x128xf32, #tpu.memory_space<vmem>>)
    %add3A_228 = arith.constant 1 : i32
    %add3A_229 = arith.addi %mul3A_2, %add3A_228 : i32
    %dma_start3A_230 = arith.constant 1 : i32
    %dma_start3A_231 = arith.constant 0 : i32
    %dma_start3A_232 = arith.constant 0 : i32
    %dma_start3A_233 = tpu.memref_slice %arg8[%dma_start3A_230, %dma_start3A_231, %dma_start3A_232] : memref<3x200x128xf32, #tpu.memory_space<vmem>> -> memref<1x200x128xf32, #tpu.memory_space<vmem>>
    %dma_start3A_234 = tpu.memref_squeeze %dma_start3A_233 : memref<1x200x128xf32, #tpu.memory_space<vmem>> -> memref<200x128xf32, #tpu.memory_space<vmem>>
    %dma_start3A_235 = arith.constant 0 : i32
    %dma_start3A_236 = arith.constant 0 : i32
    %dma_start3A_237 = tpu.memref_slice %dma_start3A_234[%dma_start3A_235, %dma_start3A_236] : memref<200x128xf32, #tpu.memory_space<vmem>> -> memref<128x128xf32, #tpu.memory_space<vmem>>
    %dma_start3A_238 = arith.constant 0 : i32
    %dma_start3A_239 = arith.constant 0 : i32
    %dma_start3A_240 = tpu.memref_slice %arg5[%add3A_229, %dma_start3A_238, %dma_start3A_239] : memref<1024x200x128xf32, #tpu.memory_space<hbm>> -> memref<1x200x128xf32, #tpu.memory_space<hbm>>
    %dma_start3A_241 = tpu.memref_squeeze %dma_start3A_240 : memref<1x200x128xf32, #tpu.memory_space<hbm>> -> memref<200x128xf32, #tpu.memory_space<hbm>>
    %dma_start3A_242 = arith.constant 0 : i32
    %dma_start3A_243 = arith.constant 0 : i32
    %dma_start3A_244 = tpu.memref_slice %dma_start3A_241[%dma_start3A_242, %dma_start3A_243] : memref<200x128xf32, #tpu.memory_space<hbm>> -> memref<128x128xf32, #tpu.memory_space<hbm>>
    %dma_start3A_245 = arith.constant 0 : i32
    %dma_start3A_246 = arith.constant 0 : i32
    %dma_start3A_247 = tpu.memref_slice %arg5[%add3A_229, %dma_start3A_245, %dma_start3A_246] : memref<1024x200x128xf32, #tpu.memory_space<hbm>> -> memref<1x200x128xf32, #tpu.memory_space<hbm>>
    %dma_start3A_248 = tpu.memref_squeeze %dma_start3A_247 : memref<1x200x128xf32, #tpu.memory_space<hbm>> -> memref<200x128xf32, #tpu.memory_space<hbm>>
    %dma_start3A_249 = arith.constant 0 : i32
    %dma_start3A_250 = arith.constant 0 : i32
    %dma_start3A_251 = tpu.memref_slice %dma_start3A_248[%dma_start3A_249, %dma_start3A_250] : memref<200x128xf32, #tpu.memory_space<hbm>> -> memref<128x128xf32, #tpu.memory_space<hbm>>
    %dma_start3A_252 = arith.constant 0 : i32
    %dma_start3A_253 = arith.constant 0 : i32
    %dma_start3A_254 = tpu.memref_slice %arg8[%dma_start3A_230, %dma_start3A_252, %dma_start3A_253] : memref<3x200x128xf32, #tpu.memory_space<vmem>> -> memref<1x200x128xf32, #tpu.memory_space<vmem>>
    %dma_start3A_255 = tpu.memref_squeeze %dma_start3A_254 : memref<1x200x128xf32, #tpu.memory_space<vmem>> -> memref<200x128xf32, #tpu.memory_space<vmem>>
    %dma_start3A_256 = arith.constant 0 : i32
    %dma_start3A_257 = arith.constant 0 : i32
    %dma_start3A_258 = tpu.memref_slice %dma_start3A_255[%dma_start3A_256, %dma_start3A_257] : memref<200x128xf32, #tpu.memory_space<vmem>> -> memref<128x128xf32, #tpu.memory_space<vmem>>
    tpu.enqueue_dma source(%dma_start3A_258 : memref<128x128xf32, #tpu.memory_space<vmem>>) target(%dma_start3A_251 : memref<128x128xf32, #tpu.memory_space<hbm>>) target_semaphore(%arg16 : memref<!tpu.dma_semaphore, #tpu.memory_space<semaphore_mem>>)
    %dma_wait3A_259 = arith.constant 1 : i32
    %dma_wait3A_260 = arith.constant 0 : i32
    %dma_wait3A_261 = arith.constant 0 : i32
    %dma_wait3A_262 = tpu.memref_slice %arg8[%dma_wait3A_259, %dma_wait3A_260, %dma_wait3A_261] : memref<3x200x128xf32, #tpu.memory_space<vmem>> -> memref<1x200x128xf32, #tpu.memory_space<vmem>>
    %dma_wait3A_263 = tpu.memref_squeeze %dma_wait3A_262 : memref<1x200x128xf32, #tpu.memory_space<vmem>> -> memref<200x128xf32, #tpu.memory_space<vmem>>
    %dma_wait3A_264 = arith.constant 128 : i32
    %dma_wait3A_265 = arith.constant 0 : i32
    %dma_wait3A_266 = tpu.memref_slice %dma_wait3A_263[%dma_wait3A_264, %dma_wait3A_265] : memref<200x128xf32, #tpu.memory_space<vmem>> -> memref<72x128xf32, #tpu.memory_space<vmem>>
    %dma_wait3A_267 = arith.constant 0 : i32
    %dma_wait3A_268 = arith.constant 0 : i32
    %dma_wait3A_269 = tpu.memref_slice %arg4[%dma_wait3A_267, %dma_wait3A_268] : memref<100000x128xf32, #tpu.memory_space<hbm>> -> memref<72x128xf32, #tpu.memory_space<hbm>>
    %dma_wait3A_270 = arith.constant 0 : i32
    %dma_wait3A_271 = arith.constant 0 : i32
    %dma_wait3A_272 = tpu.memref_slice %arg8[%dma_wait3A_259, %dma_wait3A_270, %dma_wait3A_271] : memref<3x200x128xf32, #tpu.memory_space<vmem>> -> memref<1x200x128xf32, #tpu.memory_space<vmem>>
    %dma_wait3A_273 = tpu.memref_squeeze %dma_wait3A_272 : memref<1x200x128xf32, #tpu.memory_space<vmem>> -> memref<200x128xf32, #tpu.memory_space<vmem>>
    %dma_wait3A_274 = arith.constant 128 : i32
    %dma_wait3A_275 = arith.constant 0 : i32
    %dma_wait3A_276 = tpu.memref_slice %dma_wait3A_273[%dma_wait3A_274, %dma_wait3A_275] : memref<200x128xf32, #tpu.memory_space<vmem>> -> memref<72x128xf32, #tpu.memory_space<vmem>>
    %dma_wait3A_277 = arith.constant 0 : i32
    %dma_wait3A_278 = arith.constant 0 : i32
    %dma_wait3A_279 = tpu.memref_slice %arg4[%dma_wait3A_277, %dma_wait3A_278] : memref<100000x128xf32, #tpu.memory_space<hbm>> -> memref<72x128xf32, #tpu.memory_space<hbm>>
    tpu.wait_dma2 semaphore(%arg12 : memref<!tpu.dma_semaphore, #tpu.memory_space<semaphore_mem>>) src(%dma_wait3A_279 : memref<72x128xf32, #tpu.memory_space<hbm>>) dst(%dma_wait3A_276 : memref<72x128xf32, #tpu.memory_space<vmem>>)
    %add3A_280 = arith.constant 1 : i32
    %add3A_281 = arith.addi %mul3A_2, %add3A_280 : i32
    %dma_start3A_282 = arith.constant 1 : i32
    %dma_start3A_283 = arith.constant 0 : i32
    %dma_start3A_284 = arith.constant 0 : i32
    %dma_start3A_285 = tpu.memref_slice %arg8[%dma_start3A_282, %dma_start3A_283, %dma_start3A_284] : memref<3x200x128xf32, #tpu.memory_space<vmem>> -> memref<1x200x128xf32, #tpu.memory_space<vmem>>
    %dma_start3A_286 = tpu.memref_squeeze %dma_start3A_285 : memref<1x200x128xf32, #tpu.memory_space<vmem>> -> memref<200x128xf32, #tpu.memory_space<vmem>>
    %dma_start3A_287 = arith.constant 128 : i32
    %dma_start3A_288 = arith.constant 0 : i32
    %dma_start3A_289 = tpu.memref_slice %dma_start3A_286[%dma_start3A_287, %dma_start3A_288] : memref<200x128xf32, #tpu.memory_space<vmem>> -> memref<72x128xf32, #tpu.memory_space<vmem>>
    %dma_start3A_290 = arith.constant 0 : i32
    %dma_start3A_291 = arith.constant 0 : i32
    %dma_start3A_292 = tpu.memref_slice %arg5[%add3A_281, %dma_start3A_290, %dma_start3A_291] : memref<1024x200x128xf32, #tpu.memory_space<hbm>> -> memref<1x200x128xf32, #tpu.memory_space<hbm>>
    %dma_start3A_293 = tpu.memref_squeeze %dma_start3A_292 : memref<1x200x128xf32, #tpu.memory_space<hbm>> -> memref<200x128xf32, #tpu.memory_space<hbm>>
    %dma_start3A_294 = arith.constant 128 : i32
    %dma_start3A_295 = arith.constant 0 : i32
    %dma_start3A_296 = tpu.memref_slice %dma_start3A_293[%dma_start3A_294, %dma_start3A_295] : memref<200x128xf32, #tpu.memory_space<hbm>> -> memref<72x128xf32, #tpu.memory_space<hbm>>
    %dma_start3A_297 = arith.constant 0 : i32
    %dma_start3A_298 = arith.constant 0 : i32
    %dma_start3A_299 = tpu.memref_slice %arg5[%add3A_281, %dma_start3A_297, %dma_start3A_298] : memref<1024x200x128xf32, #tpu.memory_space<hbm>> -> memref<1x200x128xf32, #tpu.memory_space<hbm>>
    %dma_start3A_300 = tpu.memref_squeeze %dma_start3A_299 : memref<1x200x128xf32, #tpu.memory_space<hbm>> -> memref<200x128xf32, #tpu.memory_space<hbm>>
    %dma_start3A_301 = arith.constant 128 : i32
    %dma_start3A_302 = arith.constant 0 : i32
    %dma_start3A_303 = tpu.memref_slice %dma_start3A_300[%dma_start3A_301, %dma_start3A_302] : memref<200x128xf32, #tpu.memory_space<hbm>> -> memref<72x128xf32, #tpu.memory_space<hbm>>
    %dma_start3A_304 = arith.constant 0 : i32
    %dma_start3A_305 = arith.constant 0 : i32
    %dma_start3A_306 = tpu.memref_slice %arg8[%dma_start3A_282, %dma_start3A_304, %dma_start3A_305] : memref<3x200x128xf32, #tpu.memory_space<vmem>> -> memref<1x200x128xf32, #tpu.memory_space<vmem>>
    %dma_start3A_307 = tpu.memref_squeeze %dma_start3A_306 : memref<1x200x128xf32, #tpu.memory_space<vmem>> -> memref<200x128xf32, #tpu.memory_space<vmem>>
    %dma_start3A_308 = arith.constant 128 : i32
    %dma_start3A_309 = arith.constant 0 : i32
    %dma_start3A_310 = tpu.memref_slice %dma_start3A_307[%dma_start3A_308, %dma_start3A_309] : memref<200x128xf32, #tpu.memory_space<vmem>> -> memref<72x128xf32, #tpu.memory_space<vmem>>
    tpu.enqueue_dma source(%dma_start3A_310 : memref<72x128xf32, #tpu.memory_space<vmem>>) target(%dma_start3A_303 : memref<72x128xf32, #tpu.memory_space<hbm>>) target_semaphore(%arg16 : memref<!tpu.dma_semaphore, #tpu.memory_space<semaphore_mem>>)
    %dma_wait3A_311 = arith.constant 0 : i32
    %dma_wait3A_312 = arith.constant 0 : i32
    %dma_wait3A_313 = arith.constant 0 : i32
    %dma_wait3A_314 = tpu.memref_slice %arg8[%dma_wait3A_311, %dma_wait3A_312, %dma_wait3A_313] : memref<3x200x128xf32, #tpu.memory_space<vmem>> -> memref<1x200x128xf32, #tpu.memory_space<vmem>>
    %dma_wait3A_315 = tpu.memref_squeeze %dma_wait3A_314 : memref<1x200x128xf32, #tpu.memory_space<vmem>> -> memref<200x128xf32, #tpu.memory_space<vmem>>
    %dma_wait3A_316 = arith.constant 0 : i32
    %dma_wait3A_317 = arith.constant 0 : i32
    %dma_wait3A_318 = tpu.memref_slice %arg4[%dma_wait3A_316, %dma_wait3A_317] : memref<100000x128xf32, #tpu.memory_space<hbm>> -> memref<200x128xf32, #tpu.memory_space<hbm>>
    %dma_wait3A_319 = arith.constant 0 : i32
    %dma_wait3A_320 = arith.constant 0 : i32
    %dma_wait3A_321 = tpu.memref_slice %arg8[%dma_wait3A_311, %dma_wait3A_319, %dma_wait3A_320] : memref<3x200x128xf32, #tpu.memory_space<vmem>> -> memref<1x200x128xf32, #tpu.memory_space<vmem>>
    %dma_wait3A_322 = tpu.memref_squeeze %dma_wait3A_321 : memref<1x200x128xf32, #tpu.memory_space<vmem>> -> memref<200x128xf32, #tpu.memory_space<vmem>>
    %dma_wait3A_323 = arith.constant 0 : i32
    %dma_wait3A_324 = arith.constant 0 : i32
    %dma_wait3A_325 = tpu.memref_slice %arg4[%dma_wait3A_323, %dma_wait3A_324] : memref<100000x128xf32, #tpu.memory_space<hbm>> -> memref<200x128xf32, #tpu.memory_space<hbm>>
    tpu.wait_dma2 semaphore(%arg15 : memref<!tpu.dma_semaphore, #tpu.memory_space<semaphore_mem>>) src(%dma_wait3A_325 : memref<200x128xf32, #tpu.memory_space<hbm>>) dst(%dma_wait3A_322 : memref<200x128xf32, #tpu.memory_space<vmem>>)
    %dma_start3A_326 = arith.constant 3 : i32
    %dma_start3A_327 = arith.constant 0 : i32
    %dma_start3A_328 = arith.constant 0 : i32
    %dma_start3A_329 = arith.constant 0 : i32
    %dma_start3A_330 = tpu.memref_slice %arg8[%dma_start3A_327, %dma_start3A_328, %dma_start3A_329] : memref<3x200x128xf32, #tpu.memory_space<vmem>> -> memref<1x200x128xf32, #tpu.memory_space<vmem>>
    %dma_start3A_331 = tpu.memref_squeeze %dma_start3A_330 : memref<1x200x128xf32, #tpu.memory_space<vmem>> -> memref<200x128xf32, #tpu.memory_space<vmem>>
    %dma_start3A_332 = arith.constant 0 : i32
    %dma_start3A_333 = arith.constant 0 : i32
    %dma_start3A_334 = tpu.memref_slice %dma_start3A_331[%dma_start3A_332, %dma_start3A_333] : memref<200x128xf32, #tpu.memory_space<vmem>> -> memref<128x128xf32, #tpu.memory_space<vmem>>
    %dma_start3A_335 = arith.constant 0 : i32
    %dma_start3A_336 = tpu.memref_slice %arg7[%dma_start3A_326, %dma_start3A_335] : memref<32x200xi32, #tpu.memory_space<vmem>> -> memref<1x200xi32, #tpu.memory_space<vmem>>
    %dma_start3A_337 = tpu.memref_squeeze %dma_start3A_336 : memref<1x200xi32, #tpu.memory_space<vmem>> -> memref<200xi32, #tpu.memory_space<vmem>>
    %dma_start3A_338 = arith.constant 0 : i32
    %dma_start3A_339 = tpu.memref_slice %dma_start3A_337[%dma_start3A_338] : memref<200xi32, #tpu.memory_space<vmem>> -> memref<128xi32, #tpu.memory_space<vmem>>
    %dma_start3A_340 = arith.constant 0 : i32
    %dma_start3A_341 = arith.constant 0 : i32
    %dma_start3A_342 = tpu.memref_slice %arg4[%dma_start3A_340, %dma_start3A_341] : memref<100000x128xf32, #tpu.memory_space<hbm>> -> memref<100000x128xf32, #tpu.memory_space<hbm>>
    tpu.enqueue_indirect_dma source(%dma_start3A_342 : memref<100000x128xf32, #tpu.memory_space<hbm>>) target(%dma_start3A_334 : memref<128x128xf32, #tpu.memory_space<vmem>>) offsets(%dma_start3A_339 : memref<128xi32, #tpu.memory_space<vmem>>) semaphore(%arg9 : memref<!tpu.dma_semaphore, #tpu.memory_space<semaphore_mem>>)
    %dma_start3A_343 = arith.constant 3 : i32
    %dma_start3A_344 = arith.constant 0 : i32
    %dma_start3A_345 = arith.constant 0 : i32
    %dma_start3A_346 = arith.constant 0 : i32
    %dma_start3A_347 = tpu.memref_slice %arg8[%dma_start3A_344, %dma_start3A_345, %dma_start3A_346] : memref<3x200x128xf32, #tpu.memory_space<vmem>> -> memref<1x200x128xf32, #tpu.memory_space<vmem>>
    %dma_start3A_348 = tpu.memref_squeeze %dma_start3A_347 : memref<1x200x128xf32, #tpu.memory_space<vmem>> -> memref<200x128xf32, #tpu.memory_space<vmem>>
    %dma_start3A_349 = arith.constant 128 : i32
    %dma_start3A_350 = arith.constant 0 : i32
    %dma_start3A_351 = tpu.memref_slice %dma_start3A_348[%dma_start3A_349, %dma_start3A_350] : memref<200x128xf32, #tpu.memory_space<vmem>> -> memref<72x128xf32, #tpu.memory_space<vmem>>
    %dma_start3A_352 = arith.constant 0 : i32
    %dma_start3A_353 = tpu.memref_slice %arg7[%dma_start3A_343, %dma_start3A_352] : memref<32x200xi32, #tpu.memory_space<vmem>> -> memref<1x200xi32, #tpu.memory_space<vmem>>
    %dma_start3A_354 = tpu.memref_squeeze %dma_start3A_353 : memref<1x200xi32, #tpu.memory_space<vmem>> -> memref<200xi32, #tpu.memory_space<vmem>>
    %dma_start3A_355 = arith.constant 128 : i32
    %dma_start3A_356 = tpu.memref_slice %dma_start3A_354[%dma_start3A_355] : memref<200xi32, #tpu.memory_space<vmem>> -> memref<72xi32, #tpu.memory_space<vmem>>
    %dma_start3A_357 = arith.constant 0 : i32
    %dma_start3A_358 = arith.constant 0 : i32
    %dma_start3A_359 = tpu.memref_slice %arg4[%dma_start3A_357, %dma_start3A_358] : memref<100000x128xf32, #tpu.memory_space<hbm>> -> memref<100000x128xf32, #tpu.memory_space<hbm>>
    tpu.enqueue_indirect_dma source(%dma_start3A_359 : memref<100000x128xf32, #tpu.memory_space<hbm>>) target(%dma_start3A_351 : memref<72x128xf32, #tpu.memory_space<vmem>>) offsets(%dma_start3A_356 : memref<72xi32, #tpu.memory_space<vmem>>) semaphore(%arg10 : memref<!tpu.dma_semaphore, #tpu.memory_space<semaphore_mem>>)
    %dma_wait3A_360 = arith.constant 2 : i32
    %dma_wait3A_361 = arith.constant 0 : i32
    %dma_wait3A_362 = arith.constant 0 : i32
    %dma_wait3A_363 = tpu.memref_slice %arg8[%dma_wait3A_360, %dma_wait3A_361, %dma_wait3A_362] : memref<3x200x128xf32, #tpu.memory_space<vmem>> -> memref<1x200x128xf32, #tpu.memory_space<vmem>>
    %dma_wait3A_364 = tpu.memref_squeeze %dma_wait3A_363 : memref<1x200x128xf32, #tpu.memory_space<vmem>> -> memref<200x128xf32, #tpu.memory_space<vmem>>
    %dma_wait3A_365 = arith.constant 0 : i32
    %dma_wait3A_366 = arith.constant 0 : i32
    %dma_wait3A_367 = tpu.memref_slice %dma_wait3A_364[%dma_wait3A_365, %dma_wait3A_366] : memref<200x128xf32, #tpu.memory_space<vmem>> -> memref<128x128xf32, #tpu.memory_space<vmem>>
    %dma_wait3A_368 = arith.constant 0 : i32
    %dma_wait3A_369 = arith.constant 0 : i32
    %dma_wait3A_370 = tpu.memref_slice %arg4[%dma_wait3A_368, %dma_wait3A_369] : memref<100000x128xf32, #tpu.memory_space<hbm>> -> memref<128x128xf32, #tpu.memory_space<hbm>>
    %dma_wait3A_371 = arith.constant 0 : i32
    %dma_wait3A_372 = arith.constant 0 : i32
    %dma_wait3A_373 = tpu.memref_slice %arg8[%dma_wait3A_360, %dma_wait3A_371, %dma_wait3A_372] : memref<3x200x128xf32, #tpu.memory_space<vmem>> -> memref<1x200x128xf32, #tpu.memory_space<vmem>>
    %dma_wait3A_374 = tpu.memref_squeeze %dma_wait3A_373 : memref<1x200x128xf32, #tpu.memory_space<vmem>> -> memref<200x128xf32, #tpu.memory_space<vmem>>
    %dma_wait3A_375 = arith.constant 0 : i32
    %dma_wait3A_376 = arith.constant 0 : i32
    %dma_wait3A_377 = tpu.memref_slice %dma_wait3A_374[%dma_wait3A_375, %dma_wait3A_376] : memref<200x128xf32, #tpu.memory_space<vmem>> -> memref<128x128xf32, #tpu.memory_space<vmem>>
    %dma_wait3A_378 = arith.constant 0 : i32
    %dma_wait3A_379 = arith.constant 0 : i32
    %dma_wait3A_380 = tpu.memref_slice %arg4[%dma_wait3A_378, %dma_wait3A_379] : memref<100000x128xf32, #tpu.memory_space<hbm>> -> memref<128x128xf32, #tpu.memory_space<hbm>>
    tpu.wait_dma2 semaphore(%arg13 : memref<!tpu.dma_semaphore, #tpu.memory_space<semaphore_mem>>) src(%dma_wait3A_380 : memref<128x128xf32, #tpu.memory_space<hbm>>) dst(%dma_wait3A_377 : memref<128x128xf32, #tpu.memory_space<vmem>>)
    %add3A_381 = arith.constant 2 : i32
    %add3A_382 = arith.addi %mul3A_2, %add3A_381 : i32
    %dma_start3A_383 = arith.constant 2 : i32
    %dma_start3A_384 = arith.constant 0 : i32
    %dma_start3A_385 = arith.constant 0 : i32
    %dma_start3A_386 = tpu.memref_slice %arg8[%dma_start3A_383, %dma_start3A_384, %dma_start3A_385] : memref<3x200x128xf32, #tpu.memory_space<vmem>> -> memref<1x200x128xf32, #tpu.memory_space<vmem>>
    %dma_start3A_387 = tpu.memref_squeeze %dma_start3A_386 : memref<1x200x128xf32, #tpu.memory_space<vmem>> -> memref<200x128xf32, #tpu.memory_space<vmem>>
    %dma_start3A_388 = arith.constant 0 : i32
    %dma_start3A_389 = arith.constant 0 : i32
    %dma_start3A_390 = tpu.memref_slice %dma_start3A_387[%dma_start3A_388, %dma_start3A_389] : memref<200x128xf32, #tpu.memory_space<vmem>> -> memref<128x128xf32, #tpu.memory_space<vmem>>
    %dma_start3A_391 = arith.constant 0 : i32
    %dma_start3A_392 = arith.constant 0 : i32
    %dma_start3A_393 = tpu.memref_slice %arg5[%add3A_382, %dma_start3A_391, %dma_start3A_392] : memref<1024x200x128xf32, #tpu.memory_space<hbm>> -> memref<1x200x128xf32, #tpu.memory_space<hbm>>
    %dma_start3A_394 = tpu.memref_squeeze %dma_start3A_393 : memref<1x200x128xf32, #tpu.memory_space<hbm>> -> memref<200x128xf32, #tpu.memory_space<hbm>>
    %dma_start3A_395 = arith.constant 0 : i32
    %dma_start3A_396 = arith.constant 0 : i32
    %dma_start3A_397 = tpu.memref_slice %dma_start3A_394[%dma_start3A_395, %dma_start3A_396] : memref<200x128xf32, #tpu.memory_space<hbm>> -> memref<128x128xf32, #tpu.memory_space<hbm>>
    %dma_start3A_398 = arith.constant 0 : i32
    %dma_start3A_399 = arith.constant 0 : i32
    %dma_start3A_400 = tpu.memref_slice %arg5[%add3A_382, %dma_start3A_398, %dma_start3A_399] : memref<1024x200x128xf32, #tpu.memory_space<hbm>> -> memref<1x200x128xf32, #tpu.memory_space<hbm>>
    %dma_start3A_401 = tpu.memref_squeeze %dma_start3A_400 : memref<1x200x128xf32, #tpu.memory_space<hbm>> -> memref<200x128xf32, #tpu.memory_space<hbm>>
    %dma_start3A_402 = arith.constant 0 : i32
    %dma_start3A_403 = arith.constant 0 : i32
    %dma_start3A_404 = tpu.memref_slice %dma_start3A_401[%dma_start3A_402, %dma_start3A_403] : memref<200x128xf32, #tpu.memory_space<hbm>> -> memref<128x128xf32, #tpu.memory_space<hbm>>
    %dma_start3A_405 = arith.constant 0 : i32
    %dma_start3A_406 = arith.constant 0 : i32
    %dma_start3A_407 = tpu.memref_slice %arg8[%dma_start3A_383, %dma_start3A_405, %dma_start3A_406] : memref<3x200x128xf32, #tpu.memory_space<vmem>> -> memref<1x200x128xf32, #tpu.memory_space<vmem>>
    %dma_start3A_408 = tpu.memref_squeeze %dma_start3A_407 : memref<1x200x128xf32, #tpu.memory_space<vmem>> -> memref<200x128xf32, #tpu.memory_space<vmem>>
    %dma_start3A_409 = arith.constant 0 : i32
    %dma_start3A_410 = arith.constant 0 : i32
    %dma_start3A_411 = tpu.memref_slice %dma_start3A_408[%dma_start3A_409, %dma_start3A_410] : memref<200x128xf32, #tpu.memory_space<vmem>> -> memref<128x128xf32, #tpu.memory_space<vmem>>
    tpu.enqueue_dma source(%dma_start3A_411 : memref<128x128xf32, #tpu.memory_space<vmem>>) target(%dma_start3A_404 : memref<128x128xf32, #tpu.memory_space<hbm>>) target_semaphore(%arg17 : memref<!tpu.dma_semaphore, #tpu.memory_space<semaphore_mem>>)
    %dma_wait3A_412 = arith.constant 2 : i32
    %dma_wait3A_413 = arith.constant 0 : i32
    %dma_wait3A_414 = arith.constant 0 : i32
    %dma_wait3A_415 = tpu.memref_slice %arg8[%dma_wait3A_412, %dma_wait3A_413, %dma_wait3A_414] : memref<3x200x128xf32, #tpu.memory_space<vmem>> -> memref<1x200x128xf32, #tpu.memory_space<vmem>>
    %dma_wait3A_416 = tpu.memref_squeeze %dma_wait3A_415 : memref<1x200x128xf32, #tpu.memory_space<vmem>> -> memref<200x128xf32, #tpu.memory_space<vmem>>
    %dma_wait3A_417 = arith.constant 128 : i32
    %dma_wait3A_418 = arith.constant 0 : i32
    %dma_wait3A_419 = tpu.memref_slice %dma_wait3A_416[%dma_wait3A_417, %dma_wait3A_418] : memref<200x128xf32, #tpu.memory_space<vmem>> -> memref<72x128xf32, #tpu.memory_space<vmem>>
    %dma_wait3A_420 = arith.constant 0 : i32
    %dma_wait3A_421 = arith.constant 0 : i32
    %dma_wait3A_422 = tpu.memref_slice %arg4[%dma_wait3A_420, %dma_wait3A_421] : memref<100000x128xf32, #tpu.memory_space<hbm>> -> memref<72x128xf32, #tpu.memory_space<hbm>>
    %dma_wait3A_423 = arith.constant 0 : i32
    %dma_wait3A_424 = arith.constant 0 : i32
    %dma_wait3A_425 = tpu.memref_slice %arg8[%dma_wait3A_412, %dma_wait3A_423, %dma_wait3A_424] : memref<3x200x128xf32, #tpu.memory_space<vmem>> -> memref<1x200x128xf32, #tpu.memory_space<vmem>>
    %dma_wait3A_426 = tpu.memref_squeeze %dma_wait3A_425 : memref<1x200x128xf32, #tpu.memory_space<vmem>> -> memref<200x128xf32, #tpu.memory_space<vmem>>
    %dma_wait3A_427 = arith.constant 128 : i32
    %dma_wait3A_428 = arith.constant 0 : i32
    %dma_wait3A_429 = tpu.memref_slice %dma_wait3A_426[%dma_wait3A_427, %dma_wait3A_428] : memref<200x128xf32, #tpu.memory_space<vmem>> -> memref<72x128xf32, #tpu.memory_space<vmem>>
    %dma_wait3A_430 = arith.constant 0 : i32
    %dma_wait3A_431 = arith.constant 0 : i32
    %dma_wait3A_432 = tpu.memref_slice %arg4[%dma_wait3A_430, %dma_wait3A_431] : memref<100000x128xf32, #tpu.memory_space<hbm>> -> memref<72x128xf32, #tpu.memory_space<hbm>>
    tpu.wait_dma2 semaphore(%arg14 : memref<!tpu.dma_semaphore, #tpu.memory_space<semaphore_mem>>) src(%dma_wait3A_432 : memref<72x128xf32, #tpu.memory_space<hbm>>) dst(%dma_wait3A_429 : memref<72x128xf32, #tpu.memory_space<vmem>>)
    %add3A_433 = arith.constant 2 : i32
    %add3A_434 = arith.addi %mul3A_2, %add3A_433 : i32
    %dma_start3A_435 = arith.constant 2 : i32
    %dma_start3A_436 = arith.constant 0 : i32
    %dma_start3A_437 = arith.constant 0 : i32
    %dma_start3A_438 = tpu.memref_slice %arg8[%dma_start3A_435, %dma_start3A_436, %dma_start3A_437] : memref<3x200x128xf32, #tpu.memory_space<vmem>> -> memref<1x200x128xf32, #tpu.memory_space<vmem>>
    %dma_start3A_439 = tpu.memref_squeeze %dma_start3A_438 : memref<1x200x128xf32, #tpu.memory_space<vmem>> -> memref<200x128xf32, #tpu.memory_space<vmem>>
    %dma_start3A_440 = arith.constant 128 : i32
    %dma_start3A_441 = arith.constant 0 : i32
    %dma_start3A_442 = tpu.memref_slice %dma_start3A_439[%dma_start3A_440, %dma_start3A_441] : memref<200x128xf32, #tpu.memory_space<vmem>> -> memref<72x128xf32, #tpu.memory_space<vmem>>
    %dma_start3A_443 = arith.constant 0 : i32
    %dma_start3A_444 = arith.constant 0 : i32
    %dma_start3A_445 = tpu.memref_slice %arg5[%add3A_434, %dma_start3A_443, %dma_start3A_444] : memref<1024x200x128xf32, #tpu.memory_space<hbm>> -> memref<1x200x128xf32, #tpu.memory_space<hbm>>
    %dma_start3A_446 = tpu.memref_squeeze %dma_start3A_445 : memref<1x200x128xf32, #tpu.memory_space<hbm>> -> memref<200x128xf32, #tpu.memory_space<hbm>>
    %dma_start3A_447 = arith.constant 128 : i32
    %dma_start3A_448 = arith.constant 0 : i32
    %dma_start3A_449 = tpu.memref_slice %dma_start3A_446[%dma_start3A_447, %dma_start3A_448] : memref<200x128xf32, #tpu.memory_space<hbm>> -> memref<72x128xf32, #tpu.memory_space<hbm>>
    %dma_start3A_450 = arith.constant 0 : i32
    %dma_start3A_451 = arith.constant 0 : i32
    %dma_start3A_452 = tpu.memref_slice %arg5[%add3A_434, %dma_start3A_450, %dma_start3A_451] : memref<1024x200x128xf32, #tpu.memory_space<hbm>> -> memref<1x200x128xf32, #tpu.memory_space<hbm>>
    %dma_start3A_453 = tpu.memref_squeeze %dma_start3A_452 : memref<1x200x128xf32, #tpu.memory_space<hbm>> -> memref<200x128xf32, #tpu.memory_space<hbm>>
    %dma_start3A_454 = arith.constant 128 : i32
    %dma_start3A_455 = arith.constant 0 : i32
    %dma_start3A_456 = tpu.memref_slice %dma_start3A_453[%dma_start3A_454, %dma_start3A_455] : memref<200x128xf32, #tpu.memory_space<hbm>> -> memref<72x128xf32, #tpu.memory_space<hbm>>
    %dma_start3A_457 = arith.constant 0 : i32
    %dma_start3A_458 = arith.constant 0 : i32
    %dma_start3A_459 = tpu.memref_slice %arg8[%dma_start3A_435, %dma_start3A_457, %dma_start3A_458] : memref<3x200x128xf32, #tpu.memory_space<vmem>> -> memref<1x200x128xf32, #tpu.memory_space<vmem>>
    %dma_start3A_460 = tpu.memref_squeeze %dma_start3A_459 : memref<1x200x128xf32, #tpu.memory_space<vmem>> -> memref<200x128xf32, #tpu.memory_space<vmem>>
    %dma_start3A_461 = arith.constant 128 : i32
    %dma_start3A_462 = arith.constant 0 : i32
    %dma_start3A_463 = tpu.memref_slice %dma_start3A_460[%dma_start3A_461, %dma_start3A_462] : memref<200x128xf32, #tpu.memory_space<vmem>> -> memref<72x128xf32, #tpu.memory_space<vmem>>
    tpu.enqueue_dma source(%dma_start3A_463 : memref<72x128xf32, #tpu.memory_space<vmem>>) target(%dma_start3A_456 : memref<72x128xf32, #tpu.memory_space<hbm>>) target_semaphore(%arg17 : memref<!tpu.dma_semaphore, #tpu.memory_space<semaphore_mem>>)
    %dma_wait3A_464 = arith.constant 1 : i32
    %dma_wait3A_465 = arith.constant 0 : i32
    %dma_wait3A_466 = arith.constant 0 : i32
    %dma_wait3A_467 = tpu.memref_slice %arg8[%dma_wait3A_464, %dma_wait3A_465, %dma_wait3A_466] : memref<3x200x128xf32, #tpu.memory_space<vmem>> -> memref<1x200x128xf32, #tpu.memory_space<vmem>>
    %dma_wait3A_468 = tpu.memref_squeeze %dma_wait3A_467 : memref<1x200x128xf32, #tpu.memory_space<vmem>> -> memref<200x128xf32, #tpu.memory_space<vmem>>
    %dma_wait3A_469 = arith.constant 0 : i32
    %dma_wait3A_470 = arith.constant 0 : i32
    %dma_wait3A_471 = tpu.memref_slice %arg4[%dma_wait3A_469, %dma_wait3A_470] : memref<100000x128xf32, #tpu.memory_space<hbm>> -> memref<200x128xf32, #tpu.memory_space<hbm>>
    %dma_wait3A_472 = arith.constant 0 : i32
    %dma_wait3A_473 = arith.constant 0 : i32
    %dma_wait3A_474 = tpu.memref_slice %arg8[%dma_wait3A_464, %dma_wait3A_472, %dma_wait3A_473] : memref<3x200x128xf32, #tpu.memory_space<vmem>> -> memref<1x200x128xf32, #tpu.memory_space<vmem>>
    %dma_wait3A_475 = tpu.memref_squeeze %dma_wait3A_474 : memref<1x200x128xf32, #tpu.memory_space<vmem>> -> memref<200x128xf32, #tpu.memory_space<vmem>>
    %dma_wait3A_476 = arith.constant 0 : i32
    %dma_wait3A_477 = arith.constant 0 : i32
    %dma_wait3A_478 = tpu.memref_slice %arg4[%dma_wait3A_476, %dma_wait3A_477] : memref<100000x128xf32, #tpu.memory_space<hbm>> -> memref<200x128xf32, #tpu.memory_space<hbm>>
    tpu.wait_dma2 semaphore(%arg16 : memref<!tpu.dma_semaphore, #tpu.memory_space<semaphore_mem>>) src(%dma_wait3A_478 : memref<200x128xf32, #tpu.memory_space<hbm>>) dst(%dma_wait3A_475 : memref<200x128xf32, #tpu.memory_space<vmem>>)
    %dma_start3A_479 = arith.constant 4 : i32
    %dma_start3A_480 = arith.constant 1 : i32
    %dma_start3A_481 = arith.constant 0 : i32
    %dma_start3A_482 = arith.constant 0 : i32
    %dma_start3A_483 = tpu.memref_slice %arg8[%dma_start3A_480, %dma_start3A_481, %dma_start3A_482] : memref<3x200x128xf32, #tpu.memory_space<vmem>> -> memref<1x200x128xf32, #tpu.memory_space<vmem>>
    %dma_start3A_484 = tpu.memref_squeeze %dma_start3A_483 : memref<1x200x128xf32, #tpu.memory_space<vmem>> -> memref<200x128xf32, #tpu.memory_space<vmem>>
    %dma_start3A_485 = arith.constant 0 : i32
    %dma_start3A_486 = arith.constant 0 : i32
    %dma_start3A_487 = tpu.memref_slice %dma_start3A_484[%dma_start3A_485, %dma_start3A_486] : memref<200x128xf32, #tpu.memory_space<vmem>> -> memref<128x128xf32, #tpu.memory_space<vmem>>
    %dma_start3A_488 = arith.constant 0 : i32
    %dma_start3A_489 = tpu.memref_slice %arg7[%dma_start3A_479, %dma_start3A_488] : memref<32x200xi32, #tpu.memory_space<vmem>> -> memref<1x200xi32, #tpu.memory_space<vmem>>
    %dma_start3A_490 = tpu.memref_squeeze %dma_start3A_489 : memref<1x200xi32, #tpu.memory_space<vmem>> -> memref<200xi32, #tpu.memory_space<vmem>>
    %dma_start3A_491 = arith.constant 0 : i32
    %dma_start3A_492 = tpu.memref_slice %dma_start3A_490[%dma_start3A_491] : memref<200xi32, #tpu.memory_space<vmem>> -> memref<128xi32, #tpu.memory_space<vmem>>
    %dma_start3A_493 = arith.constant 0 : i32
    %dma_start3A_494 = arith.constant 0 : i32
    %dma_start3A_495 = tpu.memref_slice %arg4[%dma_start3A_493, %dma_start3A_494] : memref<100000x128xf32, #tpu.memory_space<hbm>> -> memref<100000x128xf32, #tpu.memory_space<hbm>>
    tpu.enqueue_indirect_dma source(%dma_start3A_495 : memref<100000x128xf32, #tpu.memory_space<hbm>>) target(%dma_start3A_487 : memref<128x128xf32, #tpu.memory_space<vmem>>) offsets(%dma_start3A_492 : memref<128xi32, #tpu.memory_space<vmem>>) semaphore(%arg11 : memref<!tpu.dma_semaphore, #tpu.memory_space<semaphore_mem>>)
    %dma_start3A_496 = arith.constant 4 : i32
    %dma_start3A_497 = arith.constant 1 : i32
    %dma_start3A_498 = arith.constant 0 : i32
    %dma_start3A_499 = arith.constant 0 : i32
    %dma_start3A_500 = tpu.memref_slice %arg8[%dma_start3A_497, %dma_start3A_498, %dma_start3A_499] : memref<3x200x128xf32, #tpu.memory_space<vmem>> -> memref<1x200x128xf32, #tpu.memory_space<vmem>>
    %dma_start3A_501 = tpu.memref_squeeze %dma_start3A_500 : memref<1x200x128xf32, #tpu.memory_space<vmem>> -> memref<200x128xf32, #tpu.memory_space<vmem>>
    %dma_start3A_502 = arith.constant 128 : i32
    %dma_start3A_503 = arith.constant 0 : i32
    %dma_start3A_504 = tpu.memref_slice %dma_start3A_501[%dma_start3A_502, %dma_start3A_503] : memref<200x128xf32, #tpu.memory_space<vmem>> -> memref<72x128xf32, #tpu.memory_space<vmem>>
    %dma_start3A_505 = arith.constant 0 : i32
    %dma_start3A_506 = tpu.memref_slice %arg7[%dma_start3A_496, %dma_start3A_505] : memref<32x200xi32, #tpu.memory_space<vmem>> -> memref<1x200xi32, #tpu.memory_space<vmem>>
    %dma_start3A_507 = tpu.memref_squeeze %dma_start3A_506 : memref<1x200xi32, #tpu.memory_space<vmem>> -> memref<200xi32, #tpu.memory_space<vmem>>
    %dma_start3A_508 = arith.constant 128 : i32
    %dma_start3A_509 = tpu.memref_slice %dma_start3A_507[%dma_start3A_508] : memref<200xi32, #tpu.memory_space<vmem>> -> memref<72xi32, #tpu.memory_space<vmem>>
    %dma_start3A_510 = arith.constant 0 : i32
    %dma_start3A_511 = arith.constant 0 : i32
    %dma_start3A_512 = tpu.memref_slice %arg4[%dma_start3A_510, %dma_start3A_511] : memref<100000x128xf32, #tpu.memory_space<hbm>> -> memref<100000x128xf32, #tpu.memory_space<hbm>>
    tpu.enqueue_indirect_dma source(%dma_start3A_512 : memref<100000x128xf32, #tpu.memory_space<hbm>>) target(%dma_start3A_504 : memref<72x128xf32, #tpu.memory_space<vmem>>) offsets(%dma_start3A_509 : memref<72xi32, #tpu.memory_space<vmem>>) semaphore(%arg12 : memref<!tpu.dma_semaphore, #tpu.memory_space<semaphore_mem>>)
    %scan3A = arith.constant 0 : i32
    %scan3A_513 = arith.constant 1 : i32
    %scan3A_514 = arith.constant 9 : i32
    %scan3A_515 = arith.addi %scan3A_513, %scan3A_514 : i32
    %scan3A_516 = arith.constant 1 : i32
    scf.for %scan3A_771 = %scan3A_513 to %scan3A_515 step %scan3A_516  : i32 {
      %mul3A_772 = arith.constant 3 : i32
      %mul3A_773 = arith.muli %mul3A_772, %scan3A_771 : i32
      %dma_wait3A_774 = arith.constant 0 : i32
      %dma_wait3A_775 = arith.constant 0 : i32
      %dma_wait3A_776 = arith.constant 0 : i32
      %dma_wait3A_777 = tpu.memref_slice %arg8[%dma_wait3A_774, %dma_wait3A_775, %dma_wait3A_776] : memref<3x200x128xf32, #tpu.memory_space<vmem>> -> memref<1x200x128xf32, #tpu.memory_space<vmem>>
      %dma_wait3A_778 = tpu.memref_squeeze %dma_wait3A_777 : memref<1x200x128xf32, #tpu.memory_space<vmem>> -> memref<200x128xf32, #tpu.memory_space<vmem>>
      %dma_wait3A_779 = arith.constant 0 : i32
      %dma_wait3A_780 = arith.constant 0 : i32
      %dma_wait3A_781 = tpu.memref_slice %dma_wait3A_778[%dma_wait3A_779, %dma_wait3A_780] : memref<200x128xf32, #tpu.memory_space<vmem>> -> memref<128x128xf32, #tpu.memory_space<vmem>>
      %dma_wait3A_782 = arith.constant 0 : i32
      %dma_wait3A_783 = arith.constant 0 : i32
      %dma_wait3A_784 = tpu.memref_slice %arg4[%dma_wait3A_782, %dma_wait3A_783] : memref<100000x128xf32, #tpu.memory_space<hbm>> -> memref<128x128xf32, #tpu.memory_space<hbm>>
      %dma_wait3A_785 = arith.constant 0 : i32
      %dma_wait3A_786 = arith.constant 0 : i32
      %dma_wait3A_787 = tpu.memref_slice %arg8[%dma_wait3A_774, %dma_wait3A_785, %dma_wait3A_786] : memref<3x200x128xf32, #tpu.memory_space<vmem>> -> memref<1x200x128xf32, #tpu.memory_space<vmem>>
      %dma_wait3A_788 = tpu.memref_squeeze %dma_wait3A_787 : memref<1x200x128xf32, #tpu.memory_space<vmem>> -> memref<200x128xf32, #tpu.memory_space<vmem>>
      %dma_wait3A_789 = arith.constant 0 : i32
      %dma_wait3A_790 = arith.constant 0 : i32
      %dma_wait3A_791 = tpu.memref_slice %dma_wait3A_788[%dma_wait3A_789, %dma_wait3A_790] : memref<200x128xf32, #tpu.memory_space<vmem>> -> memref<128x128xf32, #tpu.memory_space<vmem>>
      %dma_wait3A_792 = arith.constant 0 : i32
      %dma_wait3A_793 = arith.constant 0 : i32
      %dma_wait3A_794 = tpu.memref_slice %arg4[%dma_wait3A_792, %dma_wait3A_793] : memref<100000x128xf32, #tpu.memory_space<hbm>> -> memref<128x128xf32, #tpu.memory_space<hbm>>
      tpu.wait_dma2 semaphore(%arg9 : memref<!tpu.dma_semaphore, #tpu.memory_space<semaphore_mem>>) src(%dma_wait3A_794 : memref<128x128xf32, #tpu.memory_space<hbm>>) dst(%dma_wait3A_791 : memref<128x128xf32, #tpu.memory_space<vmem>>)
      %add3A_795 = arith.addi %mul3A_2, %mul3A_773 : i32
      %dma_start3A_796 = arith.constant 0 : i32
      %dma_start3A_797 = arith.constant 0 : i32
      %dma_start3A_798 = arith.constant 0 : i32
      %dma_start3A_799 = tpu.memref_slice %arg8[%dma_start3A_796, %dma_start3A_797, %dma_start3A_798] : memref<3x200x128xf32, #tpu.memory_space<vmem>> -> memref<1x200x128xf32, #tpu.memory_space<vmem>>
      %dma_start3A_800 = tpu.memref_squeeze %dma_start3A_799 : memref<1x200x128xf32, #tpu.memory_space<vmem>> -> memref<200x128xf32, #tpu.memory_space<vmem>>
      %dma_start3A_801 = arith.constant 0 : i32
      %dma_start3A_802 = arith.constant 0 : i32
      %dma_start3A_803 = tpu.memref_slice %dma_start3A_800[%dma_start3A_801, %dma_start3A_802] : memref<200x128xf32, #tpu.memory_space<vmem>> -> memref<128x128xf32, #tpu.memory_space<vmem>>
      %dma_start3A_804 = arith.constant 0 : i32
      %dma_start3A_805 = arith.constant 0 : i32
      %dma_start3A_806 = tpu.memref_slice %arg5[%add3A_795, %dma_start3A_804, %dma_start3A_805] : memref<1024x200x128xf32, #tpu.memory_space<hbm>> -> memref<1x200x128xf32, #tpu.memory_space<hbm>>
      %dma_start3A_807 = tpu.memref_squeeze %dma_start3A_806 : memref<1x200x128xf32, #tpu.memory_space<hbm>> -> memref<200x128xf32, #tpu.memory_space<hbm>>
      %dma_start3A_808 = arith.constant 0 : i32
      %dma_start3A_809 = arith.constant 0 : i32
      %dma_start3A_810 = tpu.memref_slice %dma_start3A_807[%dma_start3A_808, %dma_start3A_809] : memref<200x128xf32, #tpu.memory_space<hbm>> -> memref<128x128xf32, #tpu.memory_space<hbm>>
      %dma_start3A_811 = arith.constant 0 : i32
      %dma_start3A_812 = arith.constant 0 : i32
      %dma_start3A_813 = tpu.memref_slice %arg5[%add3A_795, %dma_start3A_811, %dma_start3A_812] : memref<1024x200x128xf32, #tpu.memory_space<hbm>> -> memref<1x200x128xf32, #tpu.memory_space<hbm>>
      %dma_start3A_814 = tpu.memref_squeeze %dma_start3A_813 : memref<1x200x128xf32, #tpu.memory_space<hbm>> -> memref<200x128xf32, #tpu.memory_space<hbm>>
      %dma_start3A_815 = arith.constant 0 : i32
      %dma_start3A_816 = arith.constant 0 : i32
      %dma_start3A_817 = tpu.memref_slice %dma_start3A_814[%dma_start3A_815, %dma_start3A_816] : memref<200x128xf32, #tpu.memory_space<hbm>> -> memref<128x128xf32, #tpu.memory_space<hbm>>
      %dma_start3A_818 = arith.constant 0 : i32
      %dma_start3A_819 = arith.constant 0 : i32
      %dma_start3A_820 = tpu.memref_slice %arg8[%dma_start3A_796, %dma_start3A_818, %dma_start3A_819] : memref<3x200x128xf32, #tpu.memory_space<vmem>> -> memref<1x200x128xf32, #tpu.memory_space<vmem>>
      %dma_start3A_821 = tpu.memref_squeeze %dma_start3A_820 : memref<1x200x128xf32, #tpu.memory_space<vmem>> -> memref<200x128xf32, #tpu.memory_space<vmem>>
      %dma_start3A_822 = arith.constant 0 : i32
      %dma_start3A_823 = arith.constant 0 : i32
      %dma_start3A_824 = tpu.memref_slice %dma_start3A_821[%dma_start3A_822, %dma_start3A_823] : memref<200x128xf32, #tpu.memory_space<vmem>> -> memref<128x128xf32, #tpu.memory_space<vmem>>
      tpu.enqueue_dma source(%dma_start3A_824 : memref<128x128xf32, #tpu.memory_space<vmem>>) target(%dma_start3A_817 : memref<128x128xf32, #tpu.memory_space<hbm>>) target_semaphore(%arg15 : memref<!tpu.dma_semaphore, #tpu.memory_space<semaphore_mem>>)
      %dma_wait3A_825 = arith.constant 0 : i32
      %dma_wait3A_826 = arith.constant 0 : i32
      %dma_wait3A_827 = arith.constant 0 : i32
      %dma_wait3A_828 = tpu.memref_slice %arg8[%dma_wait3A_825, %dma_wait3A_826, %dma_wait3A_827] : memref<3x200x128xf32, #tpu.memory_space<vmem>> -> memref<1x200x128xf32, #tpu.memory_space<vmem>>
      %dma_wait3A_829 = tpu.memref_squeeze %dma_wait3A_828 : memref<1x200x128xf32, #tpu.memory_space<vmem>> -> memref<200x128xf32, #tpu.memory_space<vmem>>
      %dma_wait3A_830 = arith.constant 128 : i32
      %dma_wait3A_831 = arith.constant 0 : i32
      %dma_wait3A_832 = tpu.memref_slice %dma_wait3A_829[%dma_wait3A_830, %dma_wait3A_831] : memref<200x128xf32, #tpu.memory_space<vmem>> -> memref<72x128xf32, #tpu.memory_space<vmem>>
      %dma_wait3A_833 = arith.constant 0 : i32
      %dma_wait3A_834 = arith.constant 0 : i32
      %dma_wait3A_835 = tpu.memref_slice %arg4[%dma_wait3A_833, %dma_wait3A_834] : memref<100000x128xf32, #tpu.memory_space<hbm>> -> memref<72x128xf32, #tpu.memory_space<hbm>>
      %dma_wait3A_836 = arith.constant 0 : i32
      %dma_wait3A_837 = arith.constant 0 : i32
      %dma_wait3A_838 = tpu.memref_slice %arg8[%dma_wait3A_825, %dma_wait3A_836, %dma_wait3A_837] : memref<3x200x128xf32, #tpu.memory_space<vmem>> -> memref<1x200x128xf32, #tpu.memory_space<vmem>>
      %dma_wait3A_839 = tpu.memref_squeeze %dma_wait3A_838 : memref<1x200x128xf32, #tpu.memory_space<vmem>> -> memref<200x128xf32, #tpu.memory_space<vmem>>
      %dma_wait3A_840 = arith.constant 128 : i32
      %dma_wait3A_841 = arith.constant 0 : i32
      %dma_wait3A_842 = tpu.memref_slice %dma_wait3A_839[%dma_wait3A_840, %dma_wait3A_841] : memref<200x128xf32, #tpu.memory_space<vmem>> -> memref<72x128xf32, #tpu.memory_space<vmem>>
      %dma_wait3A_843 = arith.constant 0 : i32
      %dma_wait3A_844 = arith.constant 0 : i32
      %dma_wait3A_845 = tpu.memref_slice %arg4[%dma_wait3A_843, %dma_wait3A_844] : memref<100000x128xf32, #tpu.memory_space<hbm>> -> memref<72x128xf32, #tpu.memory_space<hbm>>
      tpu.wait_dma2 semaphore(%arg10 : memref<!tpu.dma_semaphore, #tpu.memory_space<semaphore_mem>>) src(%dma_wait3A_845 : memref<72x128xf32, #tpu.memory_space<hbm>>) dst(%dma_wait3A_842 : memref<72x128xf32, #tpu.memory_space<vmem>>)
      %add3A_846 = arith.addi %mul3A_2, %mul3A_773 : i32
      %dma_start3A_847 = arith.constant 0 : i32
      %dma_start3A_848 = arith.constant 0 : i32
      %dma_start3A_849 = arith.constant 0 : i32
      %dma_start3A_850 = tpu.memref_slice %arg8[%dma_start3A_847, %dma_start3A_848, %dma_start3A_849] : memref<3x200x128xf32, #tpu.memory_space<vmem>> -> memref<1x200x128xf32, #tpu.memory_space<vmem>>
      %dma_start3A_851 = tpu.memref_squeeze %dma_start3A_850 : memref<1x200x128xf32, #tpu.memory_space<vmem>> -> memref<200x128xf32, #tpu.memory_space<vmem>>
      %dma_start3A_852 = arith.constant 128 : i32
      %dma_start3A_853 = arith.constant 0 : i32
      %dma_start3A_854 = tpu.memref_slice %dma_start3A_851[%dma_start3A_852, %dma_start3A_853] : memref<200x128xf32, #tpu.memory_space<vmem>> -> memref<72x128xf32, #tpu.memory_space<vmem>>
      %dma_start3A_855 = arith.constant 0 : i32
      %dma_start3A_856 = arith.constant 0 : i32
      %dma_start3A_857 = tpu.memref_slice %arg5[%add3A_846, %dma_start3A_855, %dma_start3A_856] : memref<1024x200x128xf32, #tpu.memory_space<hbm>> -> memref<1x200x128xf32, #tpu.memory_space<hbm>>
      %dma_start3A_858 = tpu.memref_squeeze %dma_start3A_857 : memref<1x200x128xf32, #tpu.memory_space<hbm>> -> memref<200x128xf32, #tpu.memory_space<hbm>>
      %dma_start3A_859 = arith.constant 128 : i32
      %dma_start3A_860 = arith.constant 0 : i32
      %dma_start3A_861 = tpu.memref_slice %dma_start3A_858[%dma_start3A_859, %dma_start3A_860] : memref<200x128xf32, #tpu.memory_space<hbm>> -> memref<72x128xf32, #tpu.memory_space<hbm>>
      %dma_start3A_862 = arith.constant 0 : i32
      %dma_start3A_863 = arith.constant 0 : i32
      %dma_start3A_864 = tpu.memref_slice %arg5[%add3A_846, %dma_start3A_862, %dma_start3A_863] : memref<1024x200x128xf32, #tpu.memory_space<hbm>> -> memref<1x200x128xf32, #tpu.memory_space<hbm>>
      %dma_start3A_865 = tpu.memref_squeeze %dma_start3A_864 : memref<1x200x128xf32, #tpu.memory_space<hbm>> -> memref<200x128xf32, #tpu.memory_space<hbm>>
      %dma_start3A_866 = arith.constant 128 : i32
      %dma_start3A_867 = arith.constant 0 : i32
      %dma_start3A_868 = tpu.memref_slice %dma_start3A_865[%dma_start3A_866, %dma_start3A_867] : memref<200x128xf32, #tpu.memory_space<hbm>> -> memref<72x128xf32, #tpu.memory_space<hbm>>
      %dma_start3A_869 = arith.constant 0 : i32
      %dma_start3A_870 = arith.constant 0 : i32
      %dma_start3A_871 = tpu.memref_slice %arg8[%dma_start3A_847, %dma_start3A_869, %dma_start3A_870] : memref<3x200x128xf32, #tpu.memory_space<vmem>> -> memref<1x200x128xf32, #tpu.memory_space<vmem>>
      %dma_start3A_872 = tpu.memref_squeeze %dma_start3A_871 : memref<1x200x128xf32, #tpu.memory_space<vmem>> -> memref<200x128xf32, #tpu.memory_space<vmem>>
      %dma_start3A_873 = arith.constant 128 : i32
      %dma_start3A_874 = arith.constant 0 : i32
      %dma_start3A_875 = tpu.memref_slice %dma_start3A_872[%dma_start3A_873, %dma_start3A_874] : memref<200x128xf32, #tpu.memory_space<vmem>> -> memref<72x128xf32, #tpu.memory_space<vmem>>
      tpu.enqueue_dma source(%dma_start3A_875 : memref<72x128xf32, #tpu.memory_space<vmem>>) target(%dma_start3A_868 : memref<72x128xf32, #tpu.memory_space<hbm>>) target_semaphore(%arg15 : memref<!tpu.dma_semaphore, #tpu.memory_space<semaphore_mem>>)
      %dma_wait3A_876 = arith.constant 2 : i32
      %dma_wait3A_877 = arith.constant 0 : i32
      %dma_wait3A_878 = arith.constant 0 : i32
      %dma_wait3A_879 = tpu.memref_slice %arg8[%dma_wait3A_876, %dma_wait3A_877, %dma_wait3A_878] : memref<3x200x128xf32, #tpu.memory_space<vmem>> -> memref<1x200x128xf32, #tpu.memory_space<vmem>>
      %dma_wait3A_880 = tpu.memref_squeeze %dma_wait3A_879 : memref<1x200x128xf32, #tpu.memory_space<vmem>> -> memref<200x128xf32, #tpu.memory_space<vmem>>
      %dma_wait3A_881 = arith.constant 0 : i32
      %dma_wait3A_882 = arith.constant 0 : i32
      %dma_wait3A_883 = tpu.memref_slice %arg4[%dma_wait3A_881, %dma_wait3A_882] : memref<100000x128xf32, #tpu.memory_space<hbm>> -> memref<200x128xf32, #tpu.memory_space<hbm>>
      %dma_wait3A_884 = arith.constant 0 : i32
      %dma_wait3A_885 = arith.constant 0 : i32
      %dma_wait3A_886 = tpu.memref_slice %arg8[%dma_wait3A_876, %dma_wait3A_884, %dma_wait3A_885] : memref<3x200x128xf32, #tpu.memory_space<vmem>> -> memref<1x200x128xf32, #tpu.memory_space<vmem>>
      %dma_wait3A_887 = tpu.memref_squeeze %dma_wait3A_886 : memref<1x200x128xf32, #tpu.memory_space<vmem>> -> memref<200x128xf32, #tpu.memory_space<vmem>>
      %dma_wait3A_888 = arith.constant 0 : i32
      %dma_wait3A_889 = arith.constant 0 : i32
      %dma_wait3A_890 = tpu.memref_slice %arg4[%dma_wait3A_888, %dma_wait3A_889] : memref<100000x128xf32, #tpu.memory_space<hbm>> -> memref<200x128xf32, #tpu.memory_space<hbm>>
      tpu.wait_dma2 semaphore(%arg17 : memref<!tpu.dma_semaphore, #tpu.memory_space<semaphore_mem>>) src(%dma_wait3A_890 : memref<200x128xf32, #tpu.memory_space<hbm>>) dst(%dma_wait3A_887 : memref<200x128xf32, #tpu.memory_space<vmem>>)
      %add3A_891 = arith.constant 2 : i32
      %add3A_892 = arith.addi %mul3A_773, %add3A_891 : i32
      %dma_start3A_893 = arith.constant 2 : i32
      %dma_start3A_894 = arith.constant 0 : i32
      %dma_start3A_895 = arith.constant 0 : i32
      %dma_start3A_896 = tpu.memref_slice %arg8[%dma_start3A_893, %dma_start3A_894, %dma_start3A_895] : memref<3x200x128xf32, #tpu.memory_space<vmem>> -> memref<1x200x128xf32, #tpu.memory_space<vmem>>
      %dma_start3A_897 = tpu.memref_squeeze %dma_start3A_896 : memref<1x200x128xf32, #tpu.memory_space<vmem>> -> memref<200x128xf32, #tpu.memory_space<vmem>>
      %dma_start3A_898 = arith.constant 0 : i32
      %dma_start3A_899 = arith.constant 0 : i32
      %dma_start3A_900 = tpu.memref_slice %dma_start3A_897[%dma_start3A_898, %dma_start3A_899] : memref<200x128xf32, #tpu.memory_space<vmem>> -> memref<128x128xf32, #tpu.memory_space<vmem>>
      %dma_start3A_901 = arith.constant 0 : i32
      %dma_start3A_902 = tpu.memref_slice %arg7[%add3A_892, %dma_start3A_901] : memref<32x200xi32, #tpu.memory_space<vmem>> -> memref<1x200xi32, #tpu.memory_space<vmem>>
      %dma_start3A_903 = tpu.memref_squeeze %dma_start3A_902 : memref<1x200xi32, #tpu.memory_space<vmem>> -> memref<200xi32, #tpu.memory_space<vmem>>
      %dma_start3A_904 = arith.constant 0 : i32
      %dma_start3A_905 = tpu.memref_slice %dma_start3A_903[%dma_start3A_904] : memref<200xi32, #tpu.memory_space<vmem>> -> memref<128xi32, #tpu.memory_space<vmem>>
      %dma_start3A_906 = arith.constant 0 : i32
      %dma_start3A_907 = arith.constant 0 : i32
      %dma_start3A_908 = tpu.memref_slice %arg4[%dma_start3A_906, %dma_start3A_907] : memref<100000x128xf32, #tpu.memory_space<hbm>> -> memref<100000x128xf32, #tpu.memory_space<hbm>>
      tpu.enqueue_indirect_dma source(%dma_start3A_908 : memref<100000x128xf32, #tpu.memory_space<hbm>>) target(%dma_start3A_900 : memref<128x128xf32, #tpu.memory_space<vmem>>) offsets(%dma_start3A_905 : memref<128xi32, #tpu.memory_space<vmem>>) semaphore(%arg13 : memref<!tpu.dma_semaphore, #tpu.memory_space<semaphore_mem>>)
      %dma_start3A_909 = arith.constant 2 : i32
      %dma_start3A_910 = arith.constant 0 : i32
      %dma_start3A_911 = arith.constant 0 : i32
      %dma_start3A_912 = tpu.memref_slice %arg8[%dma_start3A_909, %dma_start3A_910, %dma_start3A_911] : memref<3x200x128xf32, #tpu.memory_space<vmem>> -> memref<1x200x128xf32, #tpu.memory_space<vmem>>
      %dma_start3A_913 = tpu.memref_squeeze %dma_start3A_912 : memref<1x200x128xf32, #tpu.memory_space<vmem>> -> memref<200x128xf32, #tpu.memory_space<vmem>>
      %dma_start3A_914 = arith.constant 128 : i32
      %dma_start3A_915 = arith.constant 0 : i32
      %dma_start3A_916 = tpu.memref_slice %dma_start3A_913[%dma_start3A_914, %dma_start3A_915] : memref<200x128xf32, #tpu.memory_space<vmem>> -> memref<72x128xf32, #tpu.memory_space<vmem>>
      %dma_start3A_917 = arith.constant 0 : i32
      %dma_start3A_918 = tpu.memref_slice %arg7[%add3A_892, %dma_start3A_917] : memref<32x200xi32, #tpu.memory_space<vmem>> -> memref<1x200xi32, #tpu.memory_space<vmem>>
      %dma_start3A_919 = tpu.memref_squeeze %dma_start3A_918 : memref<1x200xi32, #tpu.memory_space<vmem>> -> memref<200xi32, #tpu.memory_space<vmem>>
      %dma_start3A_920 = arith.constant 128 : i32
      %dma_start3A_921 = tpu.memref_slice %dma_start3A_919[%dma_start3A_920] : memref<200xi32, #tpu.memory_space<vmem>> -> memref<72xi32, #tpu.memory_space<vmem>>
      %dma_start3A_922 = arith.constant 0 : i32
      %dma_start3A_923 = arith.constant 0 : i32
      %dma_start3A_924 = tpu.memref_slice %arg4[%dma_start3A_922, %dma_start3A_923] : memref<100000x128xf32, #tpu.memory_space<hbm>> -> memref<100000x128xf32, #tpu.memory_space<hbm>>
      tpu.enqueue_indirect_dma source(%dma_start3A_924 : memref<100000x128xf32, #tpu.memory_space<hbm>>) target(%dma_start3A_916 : memref<72x128xf32, #tpu.memory_space<vmem>>) offsets(%dma_start3A_921 : memref<72xi32, #tpu.memory_space<vmem>>) semaphore(%arg14 : memref<!tpu.dma_semaphore, #tpu.memory_space<semaphore_mem>>)
      %add3A_925 = arith.constant 1 : i32
      %add3A_926 = arith.addi %mul3A_773, %add3A_925 : i32
      %dma_wait3A_927 = arith.constant 1 : i32
      %dma_wait3A_928 = arith.constant 0 : i32
      %dma_wait3A_929 = arith.constant 0 : i32
      %dma_wait3A_930 = tpu.memref_slice %arg8[%dma_wait3A_927, %dma_wait3A_928, %dma_wait3A_929] : memref<3x200x128xf32, #tpu.memory_space<vmem>> -> memref<1x200x128xf32, #tpu.memory_space<vmem>>
      %dma_wait3A_931 = tpu.memref_squeeze %dma_wait3A_930 : memref<1x200x128xf32, #tpu.memory_space<vmem>> -> memref<200x128xf32, #tpu.memory_space<vmem>>
      %dma_wait3A_932 = arith.constant 0 : i32
      %dma_wait3A_933 = arith.constant 0 : i32
      %dma_wait3A_934 = tpu.memref_slice %dma_wait3A_931[%dma_wait3A_932, %dma_wait3A_933] : memref<200x128xf32, #tpu.memory_space<vmem>> -> memref<128x128xf32, #tpu.memory_space<vmem>>
      %dma_wait3A_935 = arith.constant 0 : i32
      %dma_wait3A_936 = arith.constant 0 : i32
      %dma_wait3A_937 = tpu.memref_slice %arg4[%dma_wait3A_935, %dma_wait3A_936] : memref<100000x128xf32, #tpu.memory_space<hbm>> -> memref<128x128xf32, #tpu.memory_space<hbm>>
      %dma_wait3A_938 = arith.constant 0 : i32
      %dma_wait3A_939 = arith.constant 0 : i32
      %dma_wait3A_940 = tpu.memref_slice %arg8[%dma_wait3A_927, %dma_wait3A_938, %dma_wait3A_939] : memref<3x200x128xf32, #tpu.memory_space<vmem>> -> memref<1x200x128xf32, #tpu.memory_space<vmem>>
      %dma_wait3A_941 = tpu.memref_squeeze %dma_wait3A_940 : memref<1x200x128xf32, #tpu.memory_space<vmem>> -> memref<200x128xf32, #tpu.memory_space<vmem>>
      %dma_wait3A_942 = arith.constant 0 : i32
      %dma_wait3A_943 = arith.constant 0 : i32
      %dma_wait3A_944 = tpu.memref_slice %dma_wait3A_941[%dma_wait3A_942, %dma_wait3A_943] : memref<200x128xf32, #tpu.memory_space<vmem>> -> memref<128x128xf32, #tpu.memory_space<vmem>>
      %dma_wait3A_945 = arith.constant 0 : i32
      %dma_wait3A_946 = arith.constant 0 : i32
      %dma_wait3A_947 = tpu.memref_slice %arg4[%dma_wait3A_945, %dma_wait3A_946] : memref<100000x128xf32, #tpu.memory_space<hbm>> -> memref<128x128xf32, #tpu.memory_space<hbm>>
      tpu.wait_dma2 semaphore(%arg11 : memref<!tpu.dma_semaphore, #tpu.memory_space<semaphore_mem>>) src(%dma_wait3A_947 : memref<128x128xf32, #tpu.memory_space<hbm>>) dst(%dma_wait3A_944 : memref<128x128xf32, #tpu.memory_space<vmem>>)
      %add3A_948 = arith.addi %mul3A_2, %add3A_926 : i32
      %dma_start3A_949 = arith.constant 1 : i32
      %dma_start3A_950 = arith.constant 0 : i32
      %dma_start3A_951 = arith.constant 0 : i32
      %dma_start3A_952 = tpu.memref_slice %arg8[%dma_start3A_949, %dma_start3A_950, %dma_start3A_951] : memref<3x200x128xf32, #tpu.memory_space<vmem>> -> memref<1x200x128xf32, #tpu.memory_space<vmem>>
      %dma_start3A_953 = tpu.memref_squeeze %dma_start3A_952 : memref<1x200x128xf32, #tpu.memory_space<vmem>> -> memref<200x128xf32, #tpu.memory_space<vmem>>
      %dma_start3A_954 = arith.constant 0 : i32
      %dma_start3A_955 = arith.constant 0 : i32
      %dma_start3A_956 = tpu.memref_slice %dma_start3A_953[%dma_start3A_954, %dma_start3A_955] : memref<200x128xf32, #tpu.memory_space<vmem>> -> memref<128x128xf32, #tpu.memory_space<vmem>>
      %dma_start3A_957 = arith.constant 0 : i32
      %dma_start3A_958 = arith.constant 0 : i32
      %dma_start3A_959 = tpu.memref_slice %arg5[%add3A_948, %dma_start3A_957, %dma_start3A_958] : memref<1024x200x128xf32, #tpu.memory_space<hbm>> -> memref<1x200x128xf32, #tpu.memory_space<hbm>>
      %dma_start3A_960 = tpu.memref_squeeze %dma_start3A_959 : memref<1x200x128xf32, #tpu.memory_space<hbm>> -> memref<200x128xf32, #tpu.memory_space<hbm>>
      %dma_start3A_961 = arith.constant 0 : i32
      %dma_start3A_962 = arith.constant 0 : i32
      %dma_start3A_963 = tpu.memref_slice %dma_start3A_960[%dma_start3A_961, %dma_start3A_962] : memref<200x128xf32, #tpu.memory_space<hbm>> -> memref<128x128xf32, #tpu.memory_space<hbm>>
      %dma_start3A_964 = arith.constant 0 : i32
      %dma_start3A_965 = arith.constant 0 : i32
      %dma_start3A_966 = tpu.memref_slice %arg5[%add3A_948, %dma_start3A_964, %dma_start3A_965] : memref<1024x200x128xf32, #tpu.memory_space<hbm>> -> memref<1x200x128xf32, #tpu.memory_space<hbm>>
      %dma_start3A_967 = tpu.memref_squeeze %dma_start3A_966 : memref<1x200x128xf32, #tpu.memory_space<hbm>> -> memref<200x128xf32, #tpu.memory_space<hbm>>
      %dma_start3A_968 = arith.constant 0 : i32
      %dma_start3A_969 = arith.constant 0 : i32
      %dma_start3A_970 = tpu.memref_slice %dma_start3A_967[%dma_start3A_968, %dma_start3A_969] : memref<200x128xf32, #tpu.memory_space<hbm>> -> memref<128x128xf32, #tpu.memory_space<hbm>>
      %dma_start3A_971 = arith.constant 0 : i32
      %dma_start3A_972 = arith.constant 0 : i32
      %dma_start3A_973 = tpu.memref_slice %arg8[%dma_start3A_949, %dma_start3A_971, %dma_start3A_972] : memref<3x200x128xf32, #tpu.memory_space<vmem>> -> memref<1x200x128xf32, #tpu.memory_space<vmem>>
      %dma_start3A_974 = tpu.memref_squeeze %dma_start3A_973 : memref<1x200x128xf32, #tpu.memory_space<vmem>> -> memref<200x128xf32, #tpu.memory_space<vmem>>
      %dma_start3A_975 = arith.constant 0 : i32
      %dma_start3A_976 = arith.constant 0 : i32
      %dma_start3A_977 = tpu.memref_slice %dma_start3A_974[%dma_start3A_975, %dma_start3A_976] : memref<200x128xf32, #tpu.memory_space<vmem>> -> memref<128x128xf32, #tpu.memory_space<vmem>>
      tpu.enqueue_dma source(%dma_start3A_977 : memref<128x128xf32, #tpu.memory_space<vmem>>) target(%dma_start3A_970 : memref<128x128xf32, #tpu.memory_space<hbm>>) target_semaphore(%arg16 : memref<!tpu.dma_semaphore, #tpu.memory_space<semaphore_mem>>)
      %dma_wait3A_978 = arith.constant 1 : i32
      %dma_wait3A_979 = arith.constant 0 : i32
      %dma_wait3A_980 = arith.constant 0 : i32
      %dma_wait3A_981 = tpu.memref_slice %arg8[%dma_wait3A_978, %dma_wait3A_979, %dma_wait3A_980] : memref<3x200x128xf32, #tpu.memory_space<vmem>> -> memref<1x200x128xf32, #tpu.memory_space<vmem>>
      %dma_wait3A_982 = tpu.memref_squeeze %dma_wait3A_981 : memref<1x200x128xf32, #tpu.memory_space<vmem>> -> memref<200x128xf32, #tpu.memory_space<vmem>>
      %dma_wait3A_983 = arith.constant 128 : i32
      %dma_wait3A_984 = arith.constant 0 : i32
      %dma_wait3A_985 = tpu.memref_slice %dma_wait3A_982[%dma_wait3A_983, %dma_wait3A_984] : memref<200x128xf32, #tpu.memory_space<vmem>> -> memref<72x128xf32, #tpu.memory_space<vmem>>
      %dma_wait3A_986 = arith.constant 0 : i32
      %dma_wait3A_987 = arith.constant 0 : i32
      %dma_wait3A_988 = tpu.memref_slice %arg4[%dma_wait3A_986, %dma_wait3A_987] : memref<100000x128xf32, #tpu.memory_space<hbm>> -> memref<72x128xf32, #tpu.memory_space<hbm>>
      %dma_wait3A_989 = arith.constant 0 : i32
      %dma_wait3A_990 = arith.constant 0 : i32
      %dma_wait3A_991 = tpu.memref_slice %arg8[%dma_wait3A_978, %dma_wait3A_989, %dma_wait3A_990] : memref<3x200x128xf32, #tpu.memory_space<vmem>> -> memref<1x200x128xf32, #tpu.memory_space<vmem>>
      %dma_wait3A_992 = tpu.memref_squeeze %dma_wait3A_991 : memref<1x200x128xf32, #tpu.memory_space<vmem>> -> memref<200x128xf32, #tpu.memory_space<vmem>>
      %dma_wait3A_993 = arith.constant 128 : i32
      %dma_wait3A_994 = arith.constant 0 : i32
      %dma_wait3A_995 = tpu.memref_slice %dma_wait3A_992[%dma_wait3A_993, %dma_wait3A_994] : memref<200x128xf32, #tpu.memory_space<vmem>> -> memref<72x128xf32, #tpu.memory_space<vmem>>
      %dma_wait3A_996 = arith.constant 0 : i32
      %dma_wait3A_997 = arith.constant 0 : i32
      %dma_wait3A_998 = tpu.memref_slice %arg4[%dma_wait3A_996, %dma_wait3A_997] : memref<100000x128xf32, #tpu.memory_space<hbm>> -> memref<72x128xf32, #tpu.memory_space<hbm>>
      tpu.wait_dma2 semaphore(%arg12 : memref<!tpu.dma_semaphore, #tpu.memory_space<semaphore_mem>>) src(%dma_wait3A_998 : memref<72x128xf32, #tpu.memory_space<hbm>>) dst(%dma_wait3A_995 : memref<72x128xf32, #tpu.memory_space<vmem>>)
      %add3A_999 = arith.addi %mul3A_2, %add3A_926 : i32
      %dma_start3A_1000 = arith.constant 1 : i32
      %dma_start3A_1001 = arith.constant 0 : i32
      %dma_start3A_1002 = arith.constant 0 : i32
      %dma_start3A_1003 = tpu.memref_slice %arg8[%dma_start3A_1000, %dma_start3A_1001, %dma_start3A_1002] : memref<3x200x128xf32, #tpu.memory_space<vmem>> -> memref<1x200x128xf32, #tpu.memory_space<vmem>>
      %dma_start3A_1004 = tpu.memref_squeeze %dma_start3A_1003 : memref<1x200x128xf32, #tpu.memory_space<vmem>> -> memref<200x128xf32, #tpu.memory_space<vmem>>
      %dma_start3A_1005 = arith.constant 128 : i32
      %dma_start3A_1006 = arith.constant 0 : i32
      %dma_start3A_1007 = tpu.memref_slice %dma_start3A_1004[%dma_start3A_1005, %dma_start3A_1006] : memref<200x128xf32, #tpu.memory_space<vmem>> -> memref<72x128xf32, #tpu.memory_space<vmem>>
      %dma_start3A_1008 = arith.constant 0 : i32
      %dma_start3A_1009 = arith.constant 0 : i32
      %dma_start3A_1010 = tpu.memref_slice %arg5[%add3A_999, %dma_start3A_1008, %dma_start3A_1009] : memref<1024x200x128xf32, #tpu.memory_space<hbm>> -> memref<1x200x128xf32, #tpu.memory_space<hbm>>
      %dma_start3A_1011 = tpu.memref_squeeze %dma_start3A_1010 : memref<1x200x128xf32, #tpu.memory_space<hbm>> -> memref<200x128xf32, #tpu.memory_space<hbm>>
      %dma_start3A_1012 = arith.constant 128 : i32
      %dma_start3A_1013 = arith.constant 0 : i32
      %dma_start3A_1014 = tpu.memref_slice %dma_start3A_1011[%dma_start3A_1012, %dma_start3A_1013] : memref<200x128xf32, #tpu.memory_space<hbm>> -> memref<72x128xf32, #tpu.memory_space<hbm>>
      %dma_start3A_1015 = arith.constant 0 : i32
      %dma_start3A_1016 = arith.constant 0 : i32
      %dma_start3A_1017 = tpu.memref_slice %arg5[%add3A_999, %dma_start3A_1015, %dma_start3A_1016] : memref<1024x200x128xf32, #tpu.memory_space<hbm>> -> memref<1x200x128xf32, #tpu.memory_space<hbm>>
      %dma_start3A_1018 = tpu.memref_squeeze %dma_start3A_1017 : memref<1x200x128xf32, #tpu.memory_space<hbm>> -> memref<200x128xf32, #tpu.memory_space<hbm>>
      %dma_start3A_1019 = arith.constant 128 : i32
      %dma_start3A_1020 = arith.constant 0 : i32
      %dma_start3A_1021 = tpu.memref_slice %dma_start3A_1018[%dma_start3A_1019, %dma_start3A_1020] : memref<200x128xf32, #tpu.memory_space<hbm>> -> memref<72x128xf32, #tpu.memory_space<hbm>>
      %dma_start3A_1022 = arith.constant 0 : i32
      %dma_start3A_1023 = arith.constant 0 : i32
      %dma_start3A_1024 = tpu.memref_slice %arg8[%dma_start3A_1000, %dma_start3A_1022, %dma_start3A_1023] : memref<3x200x128xf32, #tpu.memory_space<vmem>> -> memref<1x200x128xf32, #tpu.memory_space<vmem>>
      %dma_start3A_1025 = tpu.memref_squeeze %dma_start3A_1024 : memref<1x200x128xf32, #tpu.memory_space<vmem>> -> memref<200x128xf32, #tpu.memory_space<vmem>>
      %dma_start3A_1026 = arith.constant 128 : i32
      %dma_start3A_1027 = arith.constant 0 : i32
      %dma_start3A_1028 = tpu.memref_slice %dma_start3A_1025[%dma_start3A_1026, %dma_start3A_1027] : memref<200x128xf32, #tpu.memory_space<vmem>> -> memref<72x128xf32, #tpu.memory_space<vmem>>
      tpu.enqueue_dma source(%dma_start3A_1028 : memref<72x128xf32, #tpu.memory_space<vmem>>) target(%dma_start3A_1021 : memref<72x128xf32, #tpu.memory_space<hbm>>) target_semaphore(%arg16 : memref<!tpu.dma_semaphore, #tpu.memory_space<semaphore_mem>>)
      %dma_wait3A_1029 = arith.constant 0 : i32
      %dma_wait3A_1030 = arith.constant 0 : i32
      %dma_wait3A_1031 = arith.constant 0 : i32
      %dma_wait3A_1032 = tpu.memref_slice %arg8[%dma_wait3A_1029, %dma_wait3A_1030, %dma_wait3A_1031] : memref<3x200x128xf32, #tpu.memory_space<vmem>> -> memref<1x200x128xf32, #tpu.memory_space<vmem>>
      %dma_wait3A_1033 = tpu.memref_squeeze %dma_wait3A_1032 : memref<1x200x128xf32, #tpu.memory_space<vmem>> -> memref<200x128xf32, #tpu.memory_space<vmem>>
      %dma_wait3A_1034 = arith.constant 0 : i32
      %dma_wait3A_1035 = arith.constant 0 : i32
      %dma_wait3A_1036 = tpu.memref_slice %arg4[%dma_wait3A_1034, %dma_wait3A_1035] : memref<100000x128xf32, #tpu.memory_space<hbm>> -> memref<200x128xf32, #tpu.memory_space<hbm>>
      %dma_wait3A_1037 = arith.constant 0 : i32
      %dma_wait3A_1038 = arith.constant 0 : i32
      %dma_wait3A_1039 = tpu.memref_slice %arg8[%dma_wait3A_1029, %dma_wait3A_1037, %dma_wait3A_1038] : memref<3x200x128xf32, #tpu.memory_space<vmem>> -> memref<1x200x128xf32, #tpu.memory_space<vmem>>
      %dma_wait3A_1040 = tpu.memref_squeeze %dma_wait3A_1039 : memref<1x200x128xf32, #tpu.memory_space<vmem>> -> memref<200x128xf32, #tpu.memory_space<vmem>>
      %dma_wait3A_1041 = arith.constant 0 : i32
      %dma_wait3A_1042 = arith.constant 0 : i32
      %dma_wait3A_1043 = tpu.memref_slice %arg4[%dma_wait3A_1041, %dma_wait3A_1042] : memref<100000x128xf32, #tpu.memory_space<hbm>> -> memref<200x128xf32, #tpu.memory_space<hbm>>
      tpu.wait_dma2 semaphore(%arg15 : memref<!tpu.dma_semaphore, #tpu.memory_space<semaphore_mem>>) src(%dma_wait3A_1043 : memref<200x128xf32, #tpu.memory_space<hbm>>) dst(%dma_wait3A_1040 : memref<200x128xf32, #tpu.memory_space<vmem>>)
      %add3A_1044 = arith.constant 3 : i32
      %add3A_1045 = arith.addi %mul3A_773, %add3A_1044 : i32
      %dma_start3A_1046 = arith.constant 0 : i32
      %dma_start3A_1047 = arith.constant 0 : i32
      %dma_start3A_1048 = arith.constant 0 : i32
      %dma_start3A_1049 = tpu.memref_slice %arg8[%dma_start3A_1046, %dma_start3A_1047, %dma_start3A_1048] : memref<3x200x128xf32, #tpu.memory_space<vmem>> -> memref<1x200x128xf32, #tpu.memory_space<vmem>>
      %dma_start3A_1050 = tpu.memref_squeeze %dma_start3A_1049 : memref<1x200x128xf32, #tpu.memory_space<vmem>> -> memref<200x128xf32, #tpu.memory_space<vmem>>
      %dma_start3A_1051 = arith.constant 0 : i32
      %dma_start3A_1052 = arith.constant 0 : i32
      %dma_start3A_1053 = tpu.memref_slice %dma_start3A_1050[%dma_start3A_1051, %dma_start3A_1052] : memref<200x128xf32, #tpu.memory_space<vmem>> -> memref<128x128xf32, #tpu.memory_space<vmem>>
      %dma_start3A_1054 = arith.constant 0 : i32
      %dma_start3A_1055 = tpu.memref_slice %arg7[%add3A_1045, %dma_start3A_1054] : memref<32x200xi32, #tpu.memory_space<vmem>> -> memref<1x200xi32, #tpu.memory_space<vmem>>
      %dma_start3A_1056 = tpu.memref_squeeze %dma_start3A_1055 : memref<1x200xi32, #tpu.memory_space<vmem>> -> memref<200xi32, #tpu.memory_space<vmem>>
      %dma_start3A_1057 = arith.constant 0 : i32
      %dma_start3A_1058 = tpu.memref_slice %dma_start3A_1056[%dma_start3A_1057] : memref<200xi32, #tpu.memory_space<vmem>> -> memref<128xi32, #tpu.memory_space<vmem>>
      %dma_start3A_1059 = arith.constant 0 : i32
      %dma_start3A_1060 = arith.constant 0 : i32
      %dma_start3A_1061 = tpu.memref_slice %arg4[%dma_start3A_1059, %dma_start3A_1060] : memref<100000x128xf32, #tpu.memory_space<hbm>> -> memref<100000x128xf32, #tpu.memory_space<hbm>>
      tpu.enqueue_indirect_dma source(%dma_start3A_1061 : memref<100000x128xf32, #tpu.memory_space<hbm>>) target(%dma_start3A_1053 : memref<128x128xf32, #tpu.memory_space<vmem>>) offsets(%dma_start3A_1058 : memref<128xi32, #tpu.memory_space<vmem>>) semaphore(%arg9 : memref<!tpu.dma_semaphore, #tpu.memory_space<semaphore_mem>>)
      %dma_start3A_1062 = arith.constant 0 : i32
      %dma_start3A_1063 = arith.constant 0 : i32
      %dma_start3A_1064 = arith.constant 0 : i32
      %dma_start3A_1065 = tpu.memref_slice %arg8[%dma_start3A_1062, %dma_start3A_1063, %dma_start3A_1064] : memref<3x200x128xf32, #tpu.memory_space<vmem>> -> memref<1x200x128xf32, #tpu.memory_space<vmem>>
      %dma_start3A_1066 = tpu.memref_squeeze %dma_start3A_1065 : memref<1x200x128xf32, #tpu.memory_space<vmem>> -> memref<200x128xf32, #tpu.memory_space<vmem>>
      %dma_start3A_1067 = arith.constant 128 : i32
      %dma_start3A_1068 = arith.constant 0 : i32
      %dma_start3A_1069 = tpu.memref_slice %dma_start3A_1066[%dma_start3A_1067, %dma_start3A_1068] : memref<200x128xf32, #tpu.memory_space<vmem>> -> memref<72x128xf32, #tpu.memory_space<vmem>>
      %dma_start3A_1070 = arith.constant 0 : i32
      %dma_start3A_1071 = tpu.memref_slice %arg7[%add3A_1045, %dma_start3A_1070] : memref<32x200xi32, #tpu.memory_space<vmem>> -> memref<1x200xi32, #tpu.memory_space<vmem>>
      %dma_start3A_1072 = tpu.memref_squeeze %dma_start3A_1071 : memref<1x200xi32, #tpu.memory_space<vmem>> -> memref<200xi32, #tpu.memory_space<vmem>>
      %dma_start3A_1073 = arith.constant 128 : i32
      %dma_start3A_1074 = tpu.memref_slice %dma_start3A_1072[%dma_start3A_1073] : memref<200xi32, #tpu.memory_space<vmem>> -> memref<72xi32, #tpu.memory_space<vmem>>
      %dma_start3A_1075 = arith.constant 0 : i32
      %dma_start3A_1076 = arith.constant 0 : i32
      %dma_start3A_1077 = tpu.memref_slice %arg4[%dma_start3A_1075, %dma_start3A_1076] : memref<100000x128xf32, #tpu.memory_space<hbm>> -> memref<100000x128xf32, #tpu.memory_space<hbm>>
      tpu.enqueue_indirect_dma source(%dma_start3A_1077 : memref<100000x128xf32, #tpu.memory_space<hbm>>) target(%dma_start3A_1069 : memref<72x128xf32, #tpu.memory_space<vmem>>) offsets(%dma_start3A_1074 : memref<72xi32, #tpu.memory_space<vmem>>) semaphore(%arg10 : memref<!tpu.dma_semaphore, #tpu.memory_space<semaphore_mem>>)
      %add3A_1078 = arith.constant 2 : i32
      %add3A_1079 = arith.addi %mul3A_773, %add3A_1078 : i32
      %dma_wait3A_1080 = arith.constant 2 : i32
      %dma_wait3A_1081 = arith.constant 0 : i32
      %dma_wait3A_1082 = arith.constant 0 : i32
      %dma_wait3A_1083 = tpu.memref_slice %arg8[%dma_wait3A_1080, %dma_wait3A_1081, %dma_wait3A_1082] : memref<3x200x128xf32, #tpu.memory_space<vmem>> -> memref<1x200x128xf32, #tpu.memory_space<vmem>>
      %dma_wait3A_1084 = tpu.memref_squeeze %dma_wait3A_1083 : memref<1x200x128xf32, #tpu.memory_space<vmem>> -> memref<200x128xf32, #tpu.memory_space<vmem>>
      %dma_wait3A_1085 = arith.constant 0 : i32
      %dma_wait3A_1086 = arith.constant 0 : i32
      %dma_wait3A_1087 = tpu.memref_slice %dma_wait3A_1084[%dma_wait3A_1085, %dma_wait3A_1086] : memref<200x128xf32, #tpu.memory_space<vmem>> -> memref<128x128xf32, #tpu.memory_space<vmem>>
      %dma_wait3A_1088 = arith.constant 0 : i32
      %dma_wait3A_1089 = arith.constant 0 : i32
      %dma_wait3A_1090 = tpu.memref_slice %arg4[%dma_wait3A_1088, %dma_wait3A_1089] : memref<100000x128xf32, #tpu.memory_space<hbm>> -> memref<128x128xf32, #tpu.memory_space<hbm>>
      %dma_wait3A_1091 = arith.constant 0 : i32
      %dma_wait3A_1092 = arith.constant 0 : i32
      %dma_wait3A_1093 = tpu.memref_slice %arg8[%dma_wait3A_1080, %dma_wait3A_1091, %dma_wait3A_1092] : memref<3x200x128xf32, #tpu.memory_space<vmem>> -> memref<1x200x128xf32, #tpu.memory_space<vmem>>
      %dma_wait3A_1094 = tpu.memref_squeeze %dma_wait3A_1093 : memref<1x200x128xf32, #tpu.memory_space<vmem>> -> memref<200x128xf32, #tpu.memory_space<vmem>>
      %dma_wait3A_1095 = arith.constant 0 : i32
      %dma_wait3A_1096 = arith.constant 0 : i32
      %dma_wait3A_1097 = tpu.memref_slice %dma_wait3A_1094[%dma_wait3A_1095, %dma_wait3A_1096] : memref<200x128xf32, #tpu.memory_space<vmem>> -> memref<128x128xf32, #tpu.memory_space<vmem>>
      %dma_wait3A_1098 = arith.constant 0 : i32
      %dma_wait3A_1099 = arith.constant 0 : i32
      %dma_wait3A_1100 = tpu.memref_slice %arg4[%dma_wait3A_1098, %dma_wait3A_1099] : memref<100000x128xf32, #tpu.memory_space<hbm>> -> memref<128x128xf32, #tpu.memory_space<hbm>>
      tpu.wait_dma2 semaphore(%arg13 : memref<!tpu.dma_semaphore, #tpu.memory_space<semaphore_mem>>) src(%dma_wait3A_1100 : memref<128x128xf32, #tpu.memory_space<hbm>>) dst(%dma_wait3A_1097 : memref<128x128xf32, #tpu.memory_space<vmem>>)
      %add3A_1101 = arith.addi %mul3A_2, %add3A_1079 : i32
      %dma_start3A_1102 = arith.constant 2 : i32
      %dma_start3A_1103 = arith.constant 0 : i32
      %dma_start3A_1104 = arith.constant 0 : i32
      %dma_start3A_1105 = tpu.memref_slice %arg8[%dma_start3A_1102, %dma_start3A_1103, %dma_start3A_1104] : memref<3x200x128xf32, #tpu.memory_space<vmem>> -> memref<1x200x128xf32, #tpu.memory_space<vmem>>
      %dma_start3A_1106 = tpu.memref_squeeze %dma_start3A_1105 : memref<1x200x128xf32, #tpu.memory_space<vmem>> -> memref<200x128xf32, #tpu.memory_space<vmem>>
      %dma_start3A_1107 = arith.constant 0 : i32
      %dma_start3A_1108 = arith.constant 0 : i32
      %dma_start3A_1109 = tpu.memref_slice %dma_start3A_1106[%dma_start3A_1107, %dma_start3A_1108] : memref<200x128xf32, #tpu.memory_space<vmem>> -> memref<128x128xf32, #tpu.memory_space<vmem>>
      %dma_start3A_1110 = arith.constant 0 : i32
      %dma_start3A_1111 = arith.constant 0 : i32
      %dma_start3A_1112 = tpu.memref_slice %arg5[%add3A_1101, %dma_start3A_1110, %dma_start3A_1111] : memref<1024x200x128xf32, #tpu.memory_space<hbm>> -> memref<1x200x128xf32, #tpu.memory_space<hbm>>
      %dma_start3A_1113 = tpu.memref_squeeze %dma_start3A_1112 : memref<1x200x128xf32, #tpu.memory_space<hbm>> -> memref<200x128xf32, #tpu.memory_space<hbm>>
      %dma_start3A_1114 = arith.constant 0 : i32
      %dma_start3A_1115 = arith.constant 0 : i32
      %dma_start3A_1116 = tpu.memref_slice %dma_start3A_1113[%dma_start3A_1114, %dma_start3A_1115] : memref<200x128xf32, #tpu.memory_space<hbm>> -> memref<128x128xf32, #tpu.memory_space<hbm>>
      %dma_start3A_1117 = arith.constant 0 : i32
      %dma_start3A_1118 = arith.constant 0 : i32
      %dma_start3A_1119 = tpu.memref_slice %arg5[%add3A_1101, %dma_start3A_1117, %dma_start3A_1118] : memref<1024x200x128xf32, #tpu.memory_space<hbm>> -> memref<1x200x128xf32, #tpu.memory_space<hbm>>
      %dma_start3A_1120 = tpu.memref_squeeze %dma_start3A_1119 : memref<1x200x128xf32, #tpu.memory_space<hbm>> -> memref<200x128xf32, #tpu.memory_space<hbm>>
      %dma_start3A_1121 = arith.constant 0 : i32
      %dma_start3A_1122 = arith.constant 0 : i32
      %dma_start3A_1123 = tpu.memref_slice %dma_start3A_1120[%dma_start3A_1121, %dma_start3A_1122] : memref<200x128xf32, #tpu.memory_space<hbm>> -> memref<128x128xf32, #tpu.memory_space<hbm>>
      %dma_start3A_1124 = arith.constant 0 : i32
      %dma_start3A_1125 = arith.constant 0 : i32
      %dma_start3A_1126 = tpu.memref_slice %arg8[%dma_start3A_1102, %dma_start3A_1124, %dma_start3A_1125] : memref<3x200x128xf32, #tpu.memory_space<vmem>> -> memref<1x200x128xf32, #tpu.memory_space<vmem>>
      %dma_start3A_1127 = tpu.memref_squeeze %dma_start3A_1126 : memref<1x200x128xf32, #tpu.memory_space<vmem>> -> memref<200x128xf32, #tpu.memory_space<vmem>>
      %dma_start3A_1128 = arith.constant 0 : i32
      %dma_start3A_1129 = arith.constant 0 : i32
      %dma_start3A_1130 = tpu.memref_slice %dma_start3A_1127[%dma_start3A_1128, %dma_start3A_1129] : memref<200x128xf32, #tpu.memory_space<vmem>> -> memref<128x128xf32, #tpu.memory_space<vmem>>
      tpu.enqueue_dma source(%dma_start3A_1130 : memref<128x128xf32, #tpu.memory_space<vmem>>) target(%dma_start3A_1123 : memref<128x128xf32, #tpu.memory_space<hbm>>) target_semaphore(%arg17 : memref<!tpu.dma_semaphore, #tpu.memory_space<semaphore_mem>>)
      %dma_wait3A_1131 = arith.constant 2 : i32
      %dma_wait3A_1132 = arith.constant 0 : i32
      %dma_wait3A_1133 = arith.constant 0 : i32
      %dma_wait3A_1134 = tpu.memref_slice %arg8[%dma_wait3A_1131, %dma_wait3A_1132, %dma_wait3A_1133] : memref<3x200x128xf32, #tpu.memory_space<vmem>> -> memref<1x200x128xf32, #tpu.memory_space<vmem>>
      %dma_wait3A_1135 = tpu.memref_squeeze %dma_wait3A_1134 : memref<1x200x128xf32, #tpu.memory_space<vmem>> -> memref<200x128xf32, #tpu.memory_space<vmem>>
      %dma_wait3A_1136 = arith.constant 128 : i32
      %dma_wait3A_1137 = arith.constant 0 : i32
      %dma_wait3A_1138 = tpu.memref_slice %dma_wait3A_1135[%dma_wait3A_1136, %dma_wait3A_1137] : memref<200x128xf32, #tpu.memory_space<vmem>> -> memref<72x128xf32, #tpu.memory_space<vmem>>
      %dma_wait3A_1139 = arith.constant 0 : i32
      %dma_wait3A_1140 = arith.constant 0 : i32
      %dma_wait3A_1141 = tpu.memref_slice %arg4[%dma_wait3A_1139, %dma_wait3A_1140] : memref<100000x128xf32, #tpu.memory_space<hbm>> -> memref<72x128xf32, #tpu.memory_space<hbm>>
      %dma_wait3A_1142 = arith.constant 0 : i32
      %dma_wait3A_1143 = arith.constant 0 : i32
      %dma_wait3A_1144 = tpu.memref_slice %arg8[%dma_wait3A_1131, %dma_wait3A_1142, %dma_wait3A_1143] : memref<3x200x128xf32, #tpu.memory_space<vmem>> -> memref<1x200x128xf32, #tpu.memory_space<vmem>>
      %dma_wait3A_1145 = tpu.memref_squeeze %dma_wait3A_1144 : memref<1x200x128xf32, #tpu.memory_space<vmem>> -> memref<200x128xf32, #tpu.memory_space<vmem>>
      %dma_wait3A_1146 = arith.constant 128 : i32
      %dma_wait3A_1147 = arith.constant 0 : i32
      %dma_wait3A_1148 = tpu.memref_slice %dma_wait3A_1145[%dma_wait3A_1146, %dma_wait3A_1147] : memref<200x128xf32, #tpu.memory_space<vmem>> -> memref<72x128xf32, #tpu.memory_space<vmem>>
      %dma_wait3A_1149 = arith.constant 0 : i32
      %dma_wait3A_1150 = arith.constant 0 : i32
      %dma_wait3A_1151 = tpu.memref_slice %arg4[%dma_wait3A_1149, %dma_wait3A_1150] : memref<100000x128xf32, #tpu.memory_space<hbm>> -> memref<72x128xf32, #tpu.memory_space<hbm>>
      tpu.wait_dma2 semaphore(%arg14 : memref<!tpu.dma_semaphore, #tpu.memory_space<semaphore_mem>>) src(%dma_wait3A_1151 : memref<72x128xf32, #tpu.memory_space<hbm>>) dst(%dma_wait3A_1148 : memref<72x128xf32, #tpu.memory_space<vmem>>)
      %add3A_1152 = arith.addi %mul3A_2, %add3A_1079 : i32
      %dma_start3A_1153 = arith.constant 2 : i32
      %dma_start3A_1154 = arith.constant 0 : i32
      %dma_start3A_1155 = arith.constant 0 : i32
      %dma_start3A_1156 = tpu.memref_slice %arg8[%dma_start3A_1153, %dma_start3A_1154, %dma_start3A_1155] : memref<3x200x128xf32, #tpu.memory_space<vmem>> -> memref<1x200x128xf32, #tpu.memory_space<vmem>>
      %dma_start3A_1157 = tpu.memref_squeeze %dma_start3A_1156 : memref<1x200x128xf32, #tpu.memory_space<vmem>> -> memref<200x128xf32, #tpu.memory_space<vmem>>
      %dma_start3A_1158 = arith.constant 128 : i32
      %dma_start3A_1159 = arith.constant 0 : i32
      %dma_start3A_1160 = tpu.memref_slice %dma_start3A_1157[%dma_start3A_1158, %dma_start3A_1159] : memref<200x128xf32, #tpu.memory_space<vmem>> -> memref<72x128xf32, #tpu.memory_space<vmem>>
      %dma_start3A_1161 = arith.constant 0 : i32
      %dma_start3A_1162 = arith.constant 0 : i32
      %dma_start3A_1163 = tpu.memref_slice %arg5[%add3A_1152, %dma_start3A_1161, %dma_start3A_1162] : memref<1024x200x128xf32, #tpu.memory_space<hbm>> -> memref<1x200x128xf32, #tpu.memory_space<hbm>>
      %dma_start3A_1164 = tpu.memref_squeeze %dma_start3A_1163 : memref<1x200x128xf32, #tpu.memory_space<hbm>> -> memref<200x128xf32, #tpu.memory_space<hbm>>
      %dma_start3A_1165 = arith.constant 128 : i32
      %dma_start3A_1166 = arith.constant 0 : i32
      %dma_start3A_1167 = tpu.memref_slice %dma_start3A_1164[%dma_start3A_1165, %dma_start3A_1166] : memref<200x128xf32, #tpu.memory_space<hbm>> -> memref<72x128xf32, #tpu.memory_space<hbm>>
      %dma_start3A_1168 = arith.constant 0 : i32
      %dma_start3A_1169 = arith.constant 0 : i32
      %dma_start3A_1170 = tpu.memref_slice %arg5[%add3A_1152, %dma_start3A_1168, %dma_start3A_1169] : memref<1024x200x128xf32, #tpu.memory_space<hbm>> -> memref<1x200x128xf32, #tpu.memory_space<hbm>>
      %dma_start3A_1171 = tpu.memref_squeeze %dma_start3A_1170 : memref<1x200x128xf32, #tpu.memory_space<hbm>> -> memref<200x128xf32, #tpu.memory_space<hbm>>
      %dma_start3A_1172 = arith.constant 128 : i32
      %dma_start3A_1173 = arith.constant 0 : i32
      %dma_start3A_1174 = tpu.memref_slice %dma_start3A_1171[%dma_start3A_1172, %dma_start3A_1173] : memref<200x128xf32, #tpu.memory_space<hbm>> -> memref<72x128xf32, #tpu.memory_space<hbm>>
      %dma_start3A_1175 = arith.constant 0 : i32
      %dma_start3A_1176 = arith.constant 0 : i32
      %dma_start3A_1177 = tpu.memref_slice %arg8[%dma_start3A_1153, %dma_start3A_1175, %dma_start3A_1176] : memref<3x200x128xf32, #tpu.memory_space<vmem>> -> memref<1x200x128xf32, #tpu.memory_space<vmem>>
      %dma_start3A_1178 = tpu.memref_squeeze %dma_start3A_1177 : memref<1x200x128xf32, #tpu.memory_space<vmem>> -> memref<200x128xf32, #tpu.memory_space<vmem>>
      %dma_start3A_1179 = arith.constant 128 : i32
      %dma_start3A_1180 = arith.constant 0 : i32
      %dma_start3A_1181 = tpu.memref_slice %dma_start3A_1178[%dma_start3A_1179, %dma_start3A_1180] : memref<200x128xf32, #tpu.memory_space<vmem>> -> memref<72x128xf32, #tpu.memory_space<vmem>>
      tpu.enqueue_dma source(%dma_start3A_1181 : memref<72x128xf32, #tpu.memory_space<vmem>>) target(%dma_start3A_1174 : memref<72x128xf32, #tpu.memory_space<hbm>>) target_semaphore(%arg17 : memref<!tpu.dma_semaphore, #tpu.memory_space<semaphore_mem>>)
      %dma_wait3A_1182 = arith.constant 1 : i32
      %dma_wait3A_1183 = arith.constant 0 : i32
      %dma_wait3A_1184 = arith.constant 0 : i32
      %dma_wait3A_1185 = tpu.memref_slice %arg8[%dma_wait3A_1182, %dma_wait3A_1183, %dma_wait3A_1184] : memref<3x200x128xf32, #tpu.memory_space<vmem>> -> memref<1x200x128xf32, #tpu.memory_space<vmem>>
      %dma_wait3A_1186 = tpu.memref_squeeze %dma_wait3A_1185 : memref<1x200x128xf32, #tpu.memory_space<vmem>> -> memref<200x128xf32, #tpu.memory_space<vmem>>
      %dma_wait3A_1187 = arith.constant 0 : i32
      %dma_wait3A_1188 = arith.constant 0 : i32
      %dma_wait3A_1189 = tpu.memref_slice %arg4[%dma_wait3A_1187, %dma_wait3A_1188] : memref<100000x128xf32, #tpu.memory_space<hbm>> -> memref<200x128xf32, #tpu.memory_space<hbm>>
      %dma_wait3A_1190 = arith.constant 0 : i32
      %dma_wait3A_1191 = arith.constant 0 : i32
      %dma_wait3A_1192 = tpu.memref_slice %arg8[%dma_wait3A_1182, %dma_wait3A_1190, %dma_wait3A_1191] : memref<3x200x128xf32, #tpu.memory_space<vmem>> -> memref<1x200x128xf32, #tpu.memory_space<vmem>>
      %dma_wait3A_1193 = tpu.memref_squeeze %dma_wait3A_1192 : memref<1x200x128xf32, #tpu.memory_space<vmem>> -> memref<200x128xf32, #tpu.memory_space<vmem>>
      %dma_wait3A_1194 = arith.constant 0 : i32
      %dma_wait3A_1195 = arith.constant 0 : i32
      %dma_wait3A_1196 = tpu.memref_slice %arg4[%dma_wait3A_1194, %dma_wait3A_1195] : memref<100000x128xf32, #tpu.memory_space<hbm>> -> memref<200x128xf32, #tpu.memory_space<hbm>>
      tpu.wait_dma2 semaphore(%arg16 : memref<!tpu.dma_semaphore, #tpu.memory_space<semaphore_mem>>) src(%dma_wait3A_1196 : memref<200x128xf32, #tpu.memory_space<hbm>>) dst(%dma_wait3A_1193 : memref<200x128xf32, #tpu.memory_space<vmem>>)
      %add3A_1197 = arith.constant 4 : i32
      %add3A_1198 = arith.addi %mul3A_773, %add3A_1197 : i32
      %dma_start3A_1199 = arith.constant 1 : i32
      %dma_start3A_1200 = arith.constant 0 : i32
      %dma_start3A_1201 = arith.constant 0 : i32
      %dma_start3A_1202 = tpu.memref_slice %arg8[%dma_start3A_1199, %dma_start3A_1200, %dma_start3A_1201] : memref<3x200x128xf32, #tpu.memory_space<vmem>> -> memref<1x200x128xf32, #tpu.memory_space<vmem>>
      %dma_start3A_1203 = tpu.memref_squeeze %dma_start3A_1202 : memref<1x200x128xf32, #tpu.memory_space<vmem>> -> memref<200x128xf32, #tpu.memory_space<vmem>>
      %dma_start3A_1204 = arith.constant 0 : i32
      %dma_start3A_1205 = arith.constant 0 : i32
      %dma_start3A_1206 = tpu.memref_slice %dma_start3A_1203[%dma_start3A_1204, %dma_start3A_1205] : memref<200x128xf32, #tpu.memory_space<vmem>> -> memref<128x128xf32, #tpu.memory_space<vmem>>
      %dma_start3A_1207 = arith.constant 0 : i32
      %dma_start3A_1208 = tpu.memref_slice %arg7[%add3A_1198, %dma_start3A_1207] : memref<32x200xi32, #tpu.memory_space<vmem>> -> memref<1x200xi32, #tpu.memory_space<vmem>>
      %dma_start3A_1209 = tpu.memref_squeeze %dma_start3A_1208 : memref<1x200xi32, #tpu.memory_space<vmem>> -> memref<200xi32, #tpu.memory_space<vmem>>
      %dma_start3A_1210 = arith.constant 0 : i32
      %dma_start3A_1211 = tpu.memref_slice %dma_start3A_1209[%dma_start3A_1210] : memref<200xi32, #tpu.memory_space<vmem>> -> memref<128xi32, #tpu.memory_space<vmem>>
      %dma_start3A_1212 = arith.constant 0 : i32
      %dma_start3A_1213 = arith.constant 0 : i32
      %dma_start3A_1214 = tpu.memref_slice %arg4[%dma_start3A_1212, %dma_start3A_1213] : memref<100000x128xf32, #tpu.memory_space<hbm>> -> memref<100000x128xf32, #tpu.memory_space<hbm>>
      tpu.enqueue_indirect_dma source(%dma_start3A_1214 : memref<100000x128xf32, #tpu.memory_space<hbm>>) target(%dma_start3A_1206 : memref<128x128xf32, #tpu.memory_space<vmem>>) offsets(%dma_start3A_1211 : memref<128xi32, #tpu.memory_space<vmem>>) semaphore(%arg11 : memref<!tpu.dma_semaphore, #tpu.memory_space<semaphore_mem>>)
      %dma_start3A_1215 = arith.constant 1 : i32
      %dma_start3A_1216 = arith.constant 0 : i32
      %dma_start3A_1217 = arith.constant 0 : i32
      %dma_start3A_1218 = tpu.memref_slice %arg8[%dma_start3A_1215, %dma_start3A_1216, %dma_start3A_1217] : memref<3x200x128xf32, #tpu.memory_space<vmem>> -> memref<1x200x128xf32, #tpu.memory_space<vmem>>
      %dma_start3A_1219 = tpu.memref_squeeze %dma_start3A_1218 : memref<1x200x128xf32, #tpu.memory_space<vmem>> -> memref<200x128xf32, #tpu.memory_space<vmem>>
      %dma_start3A_1220 = arith.constant 128 : i32
      %dma_start3A_1221 = arith.constant 0 : i32
      %dma_start3A_1222 = tpu.memref_slice %dma_start3A_1219[%dma_start3A_1220, %dma_start3A_1221] : memref<200x128xf32, #tpu.memory_space<vmem>> -> memref<72x128xf32, #tpu.memory_space<vmem>>
      %dma_start3A_1223 = arith.constant 0 : i32
      %dma_start3A_1224 = tpu.memref_slice %arg7[%add3A_1198, %dma_start3A_1223] : memref<32x200xi32, #tpu.memory_space<vmem>> -> memref<1x200xi32, #tpu.memory_space<vmem>>
      %dma_start3A_1225 = tpu.memref_squeeze %dma_start3A_1224 : memref<1x200xi32, #tpu.memory_space<vmem>> -> memref<200xi32, #tpu.memory_space<vmem>>
      %dma_start3A_1226 = arith.constant 128 : i32
      %dma_start3A_1227 = tpu.memref_slice %dma_start3A_1225[%dma_start3A_1226] : memref<200xi32, #tpu.memory_space<vmem>> -> memref<72xi32, #tpu.memory_space<vmem>>
      %dma_start3A_1228 = arith.constant 0 : i32
      %dma_start3A_1229 = arith.constant 0 : i32
      %dma_start3A_1230 = tpu.memref_slice %arg4[%dma_start3A_1228, %dma_start3A_1229] : memref<100000x128xf32, #tpu.memory_space<hbm>> -> memref<100000x128xf32, #tpu.memory_space<hbm>>
      tpu.enqueue_indirect_dma source(%dma_start3A_1230 : memref<100000x128xf32, #tpu.memory_space<hbm>>) target(%dma_start3A_1222 : memref<72x128xf32, #tpu.memory_space<vmem>>) offsets(%dma_start3A_1227 : memref<72xi32, #tpu.memory_space<vmem>>) semaphore(%arg12 : memref<!tpu.dma_semaphore, #tpu.memory_space<semaphore_mem>>)
    }
    %scan3A_517 = arith.constant 9 : i32
    %dma_wait3A_518 = arith.constant 0 : i32
    %dma_wait3A_519 = arith.constant 0 : i32
    %dma_wait3A_520 = arith.constant 0 : i32
    %dma_wait3A_521 = tpu.memref_slice %arg8[%dma_wait3A_518, %dma_wait3A_519, %dma_wait3A_520] : memref<3x200x128xf32, #tpu.memory_space<vmem>> -> memref<1x200x128xf32, #tpu.memory_space<vmem>>
    %dma_wait3A_522 = tpu.memref_squeeze %dma_wait3A_521 : memref<1x200x128xf32, #tpu.memory_space<vmem>> -> memref<200x128xf32, #tpu.memory_space<vmem>>
    %dma_wait3A_523 = arith.constant 0 : i32
    %dma_wait3A_524 = arith.constant 0 : i32
    %dma_wait3A_525 = tpu.memref_slice %dma_wait3A_522[%dma_wait3A_523, %dma_wait3A_524] : memref<200x128xf32, #tpu.memory_space<vmem>> -> memref<128x128xf32, #tpu.memory_space<vmem>>
    %dma_wait3A_526 = arith.constant 0 : i32
    %dma_wait3A_527 = arith.constant 0 : i32
    %dma_wait3A_528 = tpu.memref_slice %arg4[%dma_wait3A_526, %dma_wait3A_527] : memref<100000x128xf32, #tpu.memory_space<hbm>> -> memref<128x128xf32, #tpu.memory_space<hbm>>
    %dma_wait3A_529 = arith.constant 0 : i32
    %dma_wait3A_530 = arith.constant 0 : i32
    %dma_wait3A_531 = tpu.memref_slice %arg8[%dma_wait3A_518, %dma_wait3A_529, %dma_wait3A_530] : memref<3x200x128xf32, #tpu.memory_space<vmem>> -> memref<1x200x128xf32, #tpu.memory_space<vmem>>
    %dma_wait3A_532 = tpu.memref_squeeze %dma_wait3A_531 : memref<1x200x128xf32, #tpu.memory_space<vmem>> -> memref<200x128xf32, #tpu.memory_space<vmem>>
    %dma_wait3A_533 = arith.constant 0 : i32
    %dma_wait3A_534 = arith.constant 0 : i32
    %dma_wait3A_535 = tpu.memref_slice %dma_wait3A_532[%dma_wait3A_533, %dma_wait3A_534] : memref<200x128xf32, #tpu.memory_space<vmem>> -> memref<128x128xf32, #tpu.memory_space<vmem>>
    %dma_wait3A_536 = arith.constant 0 : i32
    %dma_wait3A_537 = arith.constant 0 : i32
    %dma_wait3A_538 = tpu.memref_slice %arg4[%dma_wait3A_536, %dma_wait3A_537] : memref<100000x128xf32, #tpu.memory_space<hbm>> -> memref<128x128xf32, #tpu.memory_space<hbm>>
    tpu.wait_dma2 semaphore(%arg9 : memref<!tpu.dma_semaphore, #tpu.memory_space<semaphore_mem>>) src(%dma_wait3A_538 : memref<128x128xf32, #tpu.memory_space<hbm>>) dst(%dma_wait3A_535 : memref<128x128xf32, #tpu.memory_space<vmem>>)
    %add3A_539 = arith.constant 30 : i32
    %add3A_540 = arith.addi %mul3A_2, %add3A_539 : i32
    %dma_start3A_541 = arith.constant 0 : i32
    %dma_start3A_542 = arith.constant 0 : i32
    %dma_start3A_543 = arith.constant 0 : i32
    %dma_start3A_544 = tpu.memref_slice %arg8[%dma_start3A_541, %dma_start3A_542, %dma_start3A_543] : memref<3x200x128xf32, #tpu.memory_space<vmem>> -> memref<1x200x128xf32, #tpu.memory_space<vmem>>
    %dma_start3A_545 = tpu.memref_squeeze %dma_start3A_544 : memref<1x200x128xf32, #tpu.memory_space<vmem>> -> memref<200x128xf32, #tpu.memory_space<vmem>>
    %dma_start3A_546 = arith.constant 0 : i32
    %dma_start3A_547 = arith.constant 0 : i32
    %dma_start3A_548 = tpu.memref_slice %dma_start3A_545[%dma_start3A_546, %dma_start3A_547] : memref<200x128xf32, #tpu.memory_space<vmem>> -> memref<128x128xf32, #tpu.memory_space<vmem>>
    %dma_start3A_549 = arith.constant 0 : i32
    %dma_start3A_550 = arith.constant 0 : i32
    %dma_start3A_551 = tpu.memref_slice %arg5[%add3A_540, %dma_start3A_549, %dma_start3A_550] : memref<1024x200x128xf32, #tpu.memory_space<hbm>> -> memref<1x200x128xf32, #tpu.memory_space<hbm>>
    %dma_start3A_552 = tpu.memref_squeeze %dma_start3A_551 : memref<1x200x128xf32, #tpu.memory_space<hbm>> -> memref<200x128xf32, #tpu.memory_space<hbm>>
    %dma_start3A_553 = arith.constant 0 : i32
    %dma_start3A_554 = arith.constant 0 : i32
    %dma_start3A_555 = tpu.memref_slice %dma_start3A_552[%dma_start3A_553, %dma_start3A_554] : memref<200x128xf32, #tpu.memory_space<hbm>> -> memref<128x128xf32, #tpu.memory_space<hbm>>
    %dma_start3A_556 = arith.constant 0 : i32
    %dma_start3A_557 = arith.constant 0 : i32
    %dma_start3A_558 = tpu.memref_slice %arg5[%add3A_540, %dma_start3A_556, %dma_start3A_557] : memref<1024x200x128xf32, #tpu.memory_space<hbm>> -> memref<1x200x128xf32, #tpu.memory_space<hbm>>
    %dma_start3A_559 = tpu.memref_squeeze %dma_start3A_558 : memref<1x200x128xf32, #tpu.memory_space<hbm>> -> memref<200x128xf32, #tpu.memory_space<hbm>>
    %dma_start3A_560 = arith.constant 0 : i32
    %dma_start3A_561 = arith.constant 0 : i32
    %dma_start3A_562 = tpu.memref_slice %dma_start3A_559[%dma_start3A_560, %dma_start3A_561] : memref<200x128xf32, #tpu.memory_space<hbm>> -> memref<128x128xf32, #tpu.memory_space<hbm>>
    %dma_start3A_563 = arith.constant 0 : i32
    %dma_start3A_564 = arith.constant 0 : i32
    %dma_start3A_565 = tpu.memref_slice %arg8[%dma_start3A_541, %dma_start3A_563, %dma_start3A_564] : memref<3x200x128xf32, #tpu.memory_space<vmem>> -> memref<1x200x128xf32, #tpu.memory_space<vmem>>
    %dma_start3A_566 = tpu.memref_squeeze %dma_start3A_565 : memref<1x200x128xf32, #tpu.memory_space<vmem>> -> memref<200x128xf32, #tpu.memory_space<vmem>>
    %dma_start3A_567 = arith.constant 0 : i32
    %dma_start3A_568 = arith.constant 0 : i32
    %dma_start3A_569 = tpu.memref_slice %dma_start3A_566[%dma_start3A_567, %dma_start3A_568] : memref<200x128xf32, #tpu.memory_space<vmem>> -> memref<128x128xf32, #tpu.memory_space<vmem>>
    tpu.enqueue_dma source(%dma_start3A_569 : memref<128x128xf32, #tpu.memory_space<vmem>>) target(%dma_start3A_562 : memref<128x128xf32, #tpu.memory_space<hbm>>) target_semaphore(%arg15 : memref<!tpu.dma_semaphore, #tpu.memory_space<semaphore_mem>>)
    %dma_wait3A_570 = arith.constant 0 : i32
    %dma_wait3A_571 = arith.constant 0 : i32
    %dma_wait3A_572 = arith.constant 0 : i32
    %dma_wait3A_573 = tpu.memref_slice %arg8[%dma_wait3A_570, %dma_wait3A_571, %dma_wait3A_572] : memref<3x200x128xf32, #tpu.memory_space<vmem>> -> memref<1x200x128xf32, #tpu.memory_space<vmem>>
    %dma_wait3A_574 = tpu.memref_squeeze %dma_wait3A_573 : memref<1x200x128xf32, #tpu.memory_space<vmem>> -> memref<200x128xf32, #tpu.memory_space<vmem>>
    %dma_wait3A_575 = arith.constant 128 : i32
    %dma_wait3A_576 = arith.constant 0 : i32
    %dma_wait3A_577 = tpu.memref_slice %dma_wait3A_574[%dma_wait3A_575, %dma_wait3A_576] : memref<200x128xf32, #tpu.memory_space<vmem>> -> memref<72x128xf32, #tpu.memory_space<vmem>>
    %dma_wait3A_578 = arith.constant 0 : i32
    %dma_wait3A_579 = arith.constant 0 : i32
    %dma_wait3A_580 = tpu.memref_slice %arg4[%dma_wait3A_578, %dma_wait3A_579] : memref<100000x128xf32, #tpu.memory_space<hbm>> -> memref<72x128xf32, #tpu.memory_space<hbm>>
    %dma_wait3A_581 = arith.constant 0 : i32
    %dma_wait3A_582 = arith.constant 0 : i32
    %dma_wait3A_583 = tpu.memref_slice %arg8[%dma_wait3A_570, %dma_wait3A_581, %dma_wait3A_582] : memref<3x200x128xf32, #tpu.memory_space<vmem>> -> memref<1x200x128xf32, #tpu.memory_space<vmem>>
    %dma_wait3A_584 = tpu.memref_squeeze %dma_wait3A_583 : memref<1x200x128xf32, #tpu.memory_space<vmem>> -> memref<200x128xf32, #tpu.memory_space<vmem>>
    %dma_wait3A_585 = arith.constant 128 : i32
    %dma_wait3A_586 = arith.constant 0 : i32
    %dma_wait3A_587 = tpu.memref_slice %dma_wait3A_584[%dma_wait3A_585, %dma_wait3A_586] : memref<200x128xf32, #tpu.memory_space<vmem>> -> memref<72x128xf32, #tpu.memory_space<vmem>>
    %dma_wait3A_588 = arith.constant 0 : i32
    %dma_wait3A_589 = arith.constant 0 : i32
    %dma_wait3A_590 = tpu.memref_slice %arg4[%dma_wait3A_588, %dma_wait3A_589] : memref<100000x128xf32, #tpu.memory_space<hbm>> -> memref<72x128xf32, #tpu.memory_space<hbm>>
    tpu.wait_dma2 semaphore(%arg10 : memref<!tpu.dma_semaphore, #tpu.memory_space<semaphore_mem>>) src(%dma_wait3A_590 : memref<72x128xf32, #tpu.memory_space<hbm>>) dst(%dma_wait3A_587 : memref<72x128xf32, #tpu.memory_space<vmem>>)
    %add3A_591 = arith.constant 30 : i32
    %add3A_592 = arith.addi %mul3A_2, %add3A_591 : i32
    %dma_start3A_593 = arith.constant 0 : i32
    %dma_start3A_594 = arith.constant 0 : i32
    %dma_start3A_595 = arith.constant 0 : i32
    %dma_start3A_596 = tpu.memref_slice %arg8[%dma_start3A_593, %dma_start3A_594, %dma_start3A_595] : memref<3x200x128xf32, #tpu.memory_space<vmem>> -> memref<1x200x128xf32, #tpu.memory_space<vmem>>
    %dma_start3A_597 = tpu.memref_squeeze %dma_start3A_596 : memref<1x200x128xf32, #tpu.memory_space<vmem>> -> memref<200x128xf32, #tpu.memory_space<vmem>>
    %dma_start3A_598 = arith.constant 128 : i32
    %dma_start3A_599 = arith.constant 0 : i32
    %dma_start3A_600 = tpu.memref_slice %dma_start3A_597[%dma_start3A_598, %dma_start3A_599] : memref<200x128xf32, #tpu.memory_space<vmem>> -> memref<72x128xf32, #tpu.memory_space<vmem>>
    %dma_start3A_601 = arith.constant 0 : i32
    %dma_start3A_602 = arith.constant 0 : i32
    %dma_start3A_603 = tpu.memref_slice %arg5[%add3A_592, %dma_start3A_601, %dma_start3A_602] : memref<1024x200x128xf32, #tpu.memory_space<hbm>> -> memref<1x200x128xf32, #tpu.memory_space<hbm>>
    %dma_start3A_604 = tpu.memref_squeeze %dma_start3A_603 : memref<1x200x128xf32, #tpu.memory_space<hbm>> -> memref<200x128xf32, #tpu.memory_space<hbm>>
    %dma_start3A_605 = arith.constant 128 : i32
    %dma_start3A_606 = arith.constant 0 : i32
    %dma_start3A_607 = tpu.memref_slice %dma_start3A_604[%dma_start3A_605, %dma_start3A_606] : memref<200x128xf32, #tpu.memory_space<hbm>> -> memref<72x128xf32, #tpu.memory_space<hbm>>
    %dma_start3A_608 = arith.constant 0 : i32
    %dma_start3A_609 = arith.constant 0 : i32
    %dma_start3A_610 = tpu.memref_slice %arg5[%add3A_592, %dma_start3A_608, %dma_start3A_609] : memref<1024x200x128xf32, #tpu.memory_space<hbm>> -> memref<1x200x128xf32, #tpu.memory_space<hbm>>
    %dma_start3A_611 = tpu.memref_squeeze %dma_start3A_610 : memref<1x200x128xf32, #tpu.memory_space<hbm>> -> memref<200x128xf32, #tpu.memory_space<hbm>>
    %dma_start3A_612 = arith.constant 128 : i32
    %dma_start3A_613 = arith.constant 0 : i32
    %dma_start3A_614 = tpu.memref_slice %dma_start3A_611[%dma_start3A_612, %dma_start3A_613] : memref<200x128xf32, #tpu.memory_space<hbm>> -> memref<72x128xf32, #tpu.memory_space<hbm>>
    %dma_start3A_615 = arith.constant 0 : i32
    %dma_start3A_616 = arith.constant 0 : i32
    %dma_start3A_617 = tpu.memref_slice %arg8[%dma_start3A_593, %dma_start3A_615, %dma_start3A_616] : memref<3x200x128xf32, #tpu.memory_space<vmem>> -> memref<1x200x128xf32, #tpu.memory_space<vmem>>
    %dma_start3A_618 = tpu.memref_squeeze %dma_start3A_617 : memref<1x200x128xf32, #tpu.memory_space<vmem>> -> memref<200x128xf32, #tpu.memory_space<vmem>>
    %dma_start3A_619 = arith.constant 128 : i32
    %dma_start3A_620 = arith.constant 0 : i32
    %dma_start3A_621 = tpu.memref_slice %dma_start3A_618[%dma_start3A_619, %dma_start3A_620] : memref<200x128xf32, #tpu.memory_space<vmem>> -> memref<72x128xf32, #tpu.memory_space<vmem>>
    tpu.enqueue_dma source(%dma_start3A_621 : memref<72x128xf32, #tpu.memory_space<vmem>>) target(%dma_start3A_614 : memref<72x128xf32, #tpu.memory_space<hbm>>) target_semaphore(%arg15 : memref<!tpu.dma_semaphore, #tpu.memory_space<semaphore_mem>>)
    %dma_wait3A_622 = arith.constant 2 : i32
    %dma_wait3A_623 = arith.constant 0 : i32
    %dma_wait3A_624 = arith.constant 0 : i32
    %dma_wait3A_625 = tpu.memref_slice %arg8[%dma_wait3A_622, %dma_wait3A_623, %dma_wait3A_624] : memref<3x200x128xf32, #tpu.memory_space<vmem>> -> memref<1x200x128xf32, #tpu.memory_space<vmem>>
    %dma_wait3A_626 = tpu.memref_squeeze %dma_wait3A_625 : memref<1x200x128xf32, #tpu.memory_space<vmem>> -> memref<200x128xf32, #tpu.memory_space<vmem>>
    %dma_wait3A_627 = arith.constant 0 : i32
    %dma_wait3A_628 = arith.constant 0 : i32
    %dma_wait3A_629 = tpu.memref_slice %arg4[%dma_wait3A_627, %dma_wait3A_628] : memref<100000x128xf32, #tpu.memory_space<hbm>> -> memref<200x128xf32, #tpu.memory_space<hbm>>
    %dma_wait3A_630 = arith.constant 0 : i32
    %dma_wait3A_631 = arith.constant 0 : i32
    %dma_wait3A_632 = tpu.memref_slice %arg8[%dma_wait3A_622, %dma_wait3A_630, %dma_wait3A_631] : memref<3x200x128xf32, #tpu.memory_space<vmem>> -> memref<1x200x128xf32, #tpu.memory_space<vmem>>
    %dma_wait3A_633 = tpu.memref_squeeze %dma_wait3A_632 : memref<1x200x128xf32, #tpu.memory_space<vmem>> -> memref<200x128xf32, #tpu.memory_space<vmem>>
    %dma_wait3A_634 = arith.constant 0 : i32
    %dma_wait3A_635 = arith.constant 0 : i32
    %dma_wait3A_636 = tpu.memref_slice %arg4[%dma_wait3A_634, %dma_wait3A_635] : memref<100000x128xf32, #tpu.memory_space<hbm>> -> memref<200x128xf32, #tpu.memory_space<hbm>>
    tpu.wait_dma2 semaphore(%arg17 : memref<!tpu.dma_semaphore, #tpu.memory_space<semaphore_mem>>) src(%dma_wait3A_636 : memref<200x128xf32, #tpu.memory_space<hbm>>) dst(%dma_wait3A_633 : memref<200x128xf32, #tpu.memory_space<vmem>>)
    %dma_wait3A_637 = arith.constant 1 : i32
    %dma_wait3A_638 = arith.constant 0 : i32
    %dma_wait3A_639 = arith.constant 0 : i32
    %dma_wait3A_640 = tpu.memref_slice %arg8[%dma_wait3A_637, %dma_wait3A_638, %dma_wait3A_639] : memref<3x200x128xf32, #tpu.memory_space<vmem>> -> memref<1x200x128xf32, #tpu.memory_space<vmem>>
    %dma_wait3A_641 = tpu.memref_squeeze %dma_wait3A_640 : memref<1x200x128xf32, #tpu.memory_space<vmem>> -> memref<200x128xf32, #tpu.memory_space<vmem>>
    %dma_wait3A_642 = arith.constant 0 : i32
    %dma_wait3A_643 = arith.constant 0 : i32
    %dma_wait3A_644 = tpu.memref_slice %dma_wait3A_641[%dma_wait3A_642, %dma_wait3A_643] : memref<200x128xf32, #tpu.memory_space<vmem>> -> memref<128x128xf32, #tpu.memory_space<vmem>>
    %dma_wait3A_645 = arith.constant 0 : i32
    %dma_wait3A_646 = arith.constant 0 : i32
    %dma_wait3A_647 = tpu.memref_slice %arg4[%dma_wait3A_645, %dma_wait3A_646] : memref<100000x128xf32, #tpu.memory_space<hbm>> -> memref<128x128xf32, #tpu.memory_space<hbm>>
    %dma_wait3A_648 = arith.constant 0 : i32
    %dma_wait3A_649 = arith.constant 0 : i32
    %dma_wait3A_650 = tpu.memref_slice %arg8[%dma_wait3A_637, %dma_wait3A_648, %dma_wait3A_649] : memref<3x200x128xf32, #tpu.memory_space<vmem>> -> memref<1x200x128xf32, #tpu.memory_space<vmem>>
    %dma_wait3A_651 = tpu.memref_squeeze %dma_wait3A_650 : memref<1x200x128xf32, #tpu.memory_space<vmem>> -> memref<200x128xf32, #tpu.memory_space<vmem>>
    %dma_wait3A_652 = arith.constant 0 : i32
    %dma_wait3A_653 = arith.constant 0 : i32
    %dma_wait3A_654 = tpu.memref_slice %dma_wait3A_651[%dma_wait3A_652, %dma_wait3A_653] : memref<200x128xf32, #tpu.memory_space<vmem>> -> memref<128x128xf32, #tpu.memory_space<vmem>>
    %dma_wait3A_655 = arith.constant 0 : i32
    %dma_wait3A_656 = arith.constant 0 : i32
    %dma_wait3A_657 = tpu.memref_slice %arg4[%dma_wait3A_655, %dma_wait3A_656] : memref<100000x128xf32, #tpu.memory_space<hbm>> -> memref<128x128xf32, #tpu.memory_space<hbm>>
    tpu.wait_dma2 semaphore(%arg11 : memref<!tpu.dma_semaphore, #tpu.memory_space<semaphore_mem>>) src(%dma_wait3A_657 : memref<128x128xf32, #tpu.memory_space<hbm>>) dst(%dma_wait3A_654 : memref<128x128xf32, #tpu.memory_space<vmem>>)
    %add3A_658 = arith.constant 31 : i32
    %add3A_659 = arith.addi %mul3A_2, %add3A_658 : i32
    %dma_start3A_660 = arith.constant 1 : i32
    %dma_start3A_661 = arith.constant 0 : i32
    %dma_start3A_662 = arith.constant 0 : i32
    %dma_start3A_663 = tpu.memref_slice %arg8[%dma_start3A_660, %dma_start3A_661, %dma_start3A_662] : memref<3x200x128xf32, #tpu.memory_space<vmem>> -> memref<1x200x128xf32, #tpu.memory_space<vmem>>
    %dma_start3A_664 = tpu.memref_squeeze %dma_start3A_663 : memref<1x200x128xf32, #tpu.memory_space<vmem>> -> memref<200x128xf32, #tpu.memory_space<vmem>>
    %dma_start3A_665 = arith.constant 0 : i32
    %dma_start3A_666 = arith.constant 0 : i32
    %dma_start3A_667 = tpu.memref_slice %dma_start3A_664[%dma_start3A_665, %dma_start3A_666] : memref<200x128xf32, #tpu.memory_space<vmem>> -> memref<128x128xf32, #tpu.memory_space<vmem>>
    %dma_start3A_668 = arith.constant 0 : i32
    %dma_start3A_669 = arith.constant 0 : i32
    %dma_start3A_670 = tpu.memref_slice %arg5[%add3A_659, %dma_start3A_668, %dma_start3A_669] : memref<1024x200x128xf32, #tpu.memory_space<hbm>> -> memref<1x200x128xf32, #tpu.memory_space<hbm>>
    %dma_start3A_671 = tpu.memref_squeeze %dma_start3A_670 : memref<1x200x128xf32, #tpu.memory_space<hbm>> -> memref<200x128xf32, #tpu.memory_space<hbm>>
    %dma_start3A_672 = arith.constant 0 : i32
    %dma_start3A_673 = arith.constant 0 : i32
    %dma_start3A_674 = tpu.memref_slice %dma_start3A_671[%dma_start3A_672, %dma_start3A_673] : memref<200x128xf32, #tpu.memory_space<hbm>> -> memref<128x128xf32, #tpu.memory_space<hbm>>
    %dma_start3A_675 = arith.constant 0 : i32
    %dma_start3A_676 = arith.constant 0 : i32
    %dma_start3A_677 = tpu.memref_slice %arg5[%add3A_659, %dma_start3A_675, %dma_start3A_676] : memref<1024x200x128xf32, #tpu.memory_space<hbm>> -> memref<1x200x128xf32, #tpu.memory_space<hbm>>
    %dma_start3A_678 = tpu.memref_squeeze %dma_start3A_677 : memref<1x200x128xf32, #tpu.memory_space<hbm>> -> memref<200x128xf32, #tpu.memory_space<hbm>>
    %dma_start3A_679 = arith.constant 0 : i32
    %dma_start3A_680 = arith.constant 0 : i32
    %dma_start3A_681 = tpu.memref_slice %dma_start3A_678[%dma_start3A_679, %dma_start3A_680] : memref<200x128xf32, #tpu.memory_space<hbm>> -> memref<128x128xf32, #tpu.memory_space<hbm>>
    %dma_start3A_682 = arith.constant 0 : i32
    %dma_start3A_683 = arith.constant 0 : i32
    %dma_start3A_684 = tpu.memref_slice %arg8[%dma_start3A_660, %dma_start3A_682, %dma_start3A_683] : memref<3x200x128xf32, #tpu.memory_space<vmem>> -> memref<1x200x128xf32, #tpu.memory_space<vmem>>
    %dma_start3A_685 = tpu.memref_squeeze %dma_start3A_684 : memref<1x200x128xf32, #tpu.memory_space<vmem>> -> memref<200x128xf32, #tpu.memory_space<vmem>>
    %dma_start3A_686 = arith.constant 0 : i32
    %dma_start3A_687 = arith.constant 0 : i32
    %dma_start3A_688 = tpu.memref_slice %dma_start3A_685[%dma_start3A_686, %dma_start3A_687] : memref<200x128xf32, #tpu.memory_space<vmem>> -> memref<128x128xf32, #tpu.memory_space<vmem>>
    tpu.enqueue_dma source(%dma_start3A_688 : memref<128x128xf32, #tpu.memory_space<vmem>>) target(%dma_start3A_681 : memref<128x128xf32, #tpu.memory_space<hbm>>) target_semaphore(%arg16 : memref<!tpu.dma_semaphore, #tpu.memory_space<semaphore_mem>>)
    %dma_wait3A_689 = arith.constant 1 : i32
    %dma_wait3A_690 = arith.constant 0 : i32
    %dma_wait3A_691 = arith.constant 0 : i32
    %dma_wait3A_692 = tpu.memref_slice %arg8[%dma_wait3A_689, %dma_wait3A_690, %dma_wait3A_691] : memref<3x200x128xf32, #tpu.memory_space<vmem>> -> memref<1x200x128xf32, #tpu.memory_space<vmem>>
    %dma_wait3A_693 = tpu.memref_squeeze %dma_wait3A_692 : memref<1x200x128xf32, #tpu.memory_space<vmem>> -> memref<200x128xf32, #tpu.memory_space<vmem>>
    %dma_wait3A_694 = arith.constant 128 : i32
    %dma_wait3A_695 = arith.constant 0 : i32
    %dma_wait3A_696 = tpu.memref_slice %dma_wait3A_693[%dma_wait3A_694, %dma_wait3A_695] : memref<200x128xf32, #tpu.memory_space<vmem>> -> memref<72x128xf32, #tpu.memory_space<vmem>>
    %dma_wait3A_697 = arith.constant 0 : i32
    %dma_wait3A_698 = arith.constant 0 : i32
    %dma_wait3A_699 = tpu.memref_slice %arg4[%dma_wait3A_697, %dma_wait3A_698] : memref<100000x128xf32, #tpu.memory_space<hbm>> -> memref<72x128xf32, #tpu.memory_space<hbm>>
    %dma_wait3A_700 = arith.constant 0 : i32
    %dma_wait3A_701 = arith.constant 0 : i32
    %dma_wait3A_702 = tpu.memref_slice %arg8[%dma_wait3A_689, %dma_wait3A_700, %dma_wait3A_701] : memref<3x200x128xf32, #tpu.memory_space<vmem>> -> memref<1x200x128xf32, #tpu.memory_space<vmem>>
    %dma_wait3A_703 = tpu.memref_squeeze %dma_wait3A_702 : memref<1x200x128xf32, #tpu.memory_space<vmem>> -> memref<200x128xf32, #tpu.memory_space<vmem>>
    %dma_wait3A_704 = arith.constant 128 : i32
    %dma_wait3A_705 = arith.constant 0 : i32
    %dma_wait3A_706 = tpu.memref_slice %dma_wait3A_703[%dma_wait3A_704, %dma_wait3A_705] : memref<200x128xf32, #tpu.memory_space<vmem>> -> memref<72x128xf32, #tpu.memory_space<vmem>>
    %dma_wait3A_707 = arith.constant 0 : i32
    %dma_wait3A_708 = arith.constant 0 : i32
    %dma_wait3A_709 = tpu.memref_slice %arg4[%dma_wait3A_707, %dma_wait3A_708] : memref<100000x128xf32, #tpu.memory_space<hbm>> -> memref<72x128xf32, #tpu.memory_space<hbm>>
    tpu.wait_dma2 semaphore(%arg12 : memref<!tpu.dma_semaphore, #tpu.memory_space<semaphore_mem>>) src(%dma_wait3A_709 : memref<72x128xf32, #tpu.memory_space<hbm>>) dst(%dma_wait3A_706 : memref<72x128xf32, #tpu.memory_space<vmem>>)
    %add3A_710 = arith.constant 31 : i32
    %add3A_711 = arith.addi %mul3A_2, %add3A_710 : i32
    %dma_start3A_712 = arith.constant 1 : i32
    %dma_start3A_713 = arith.constant 0 : i32
    %dma_start3A_714 = arith.constant 0 : i32
    %dma_start3A_715 = tpu.memref_slice %arg8[%dma_start3A_712, %dma_start3A_713, %dma_start3A_714] : memref<3x200x128xf32, #tpu.memory_space<vmem>> -> memref<1x200x128xf32, #tpu.memory_space<vmem>>
    %dma_start3A_716 = tpu.memref_squeeze %dma_start3A_715 : memref<1x200x128xf32, #tpu.memory_space<vmem>> -> memref<200x128xf32, #tpu.memory_space<vmem>>
    %dma_start3A_717 = arith.constant 128 : i32
    %dma_start3A_718 = arith.constant 0 : i32
    %dma_start3A_719 = tpu.memref_slice %dma_start3A_716[%dma_start3A_717, %dma_start3A_718] : memref<200x128xf32, #tpu.memory_space<vmem>> -> memref<72x128xf32, #tpu.memory_space<vmem>>
    %dma_start3A_720 = arith.constant 0 : i32
    %dma_start3A_721 = arith.constant 0 : i32
    %dma_start3A_722 = tpu.memref_slice %arg5[%add3A_711, %dma_start3A_720, %dma_start3A_721] : memref<1024x200x128xf32, #tpu.memory_space<hbm>> -> memref<1x200x128xf32, #tpu.memory_space<hbm>>
    %dma_start3A_723 = tpu.memref_squeeze %dma_start3A_722 : memref<1x200x128xf32, #tpu.memory_space<hbm>> -> memref<200x128xf32, #tpu.memory_space<hbm>>
    %dma_start3A_724 = arith.constant 128 : i32
    %dma_start3A_725 = arith.constant 0 : i32
    %dma_start3A_726 = tpu.memref_slice %dma_start3A_723[%dma_start3A_724, %dma_start3A_725] : memref<200x128xf32, #tpu.memory_space<hbm>> -> memref<72x128xf32, #tpu.memory_space<hbm>>
    %dma_start3A_727 = arith.constant 0 : i32
    %dma_start3A_728 = arith.constant 0 : i32
    %dma_start3A_729 = tpu.memref_slice %arg5[%add3A_711, %dma_start3A_727, %dma_start3A_728] : memref<1024x200x128xf32, #tpu.memory_space<hbm>> -> memref<1x200x128xf32, #tpu.memory_space<hbm>>
    %dma_start3A_730 = tpu.memref_squeeze %dma_start3A_729 : memref<1x200x128xf32, #tpu.memory_space<hbm>> -> memref<200x128xf32, #tpu.memory_space<hbm>>
    %dma_start3A_731 = arith.constant 128 : i32
    %dma_start3A_732 = arith.constant 0 : i32
    %dma_start3A_733 = tpu.memref_slice %dma_start3A_730[%dma_start3A_731, %dma_start3A_732] : memref<200x128xf32, #tpu.memory_space<hbm>> -> memref<72x128xf32, #tpu.memory_space<hbm>>
    %dma_start3A_734 = arith.constant 0 : i32
    %dma_start3A_735 = arith.constant 0 : i32
    %dma_start3A_736 = tpu.memref_slice %arg8[%dma_start3A_712, %dma_start3A_734, %dma_start3A_735] : memref<3x200x128xf32, #tpu.memory_space<vmem>> -> memref<1x200x128xf32, #tpu.memory_space<vmem>>
    %dma_start3A_737 = tpu.memref_squeeze %dma_start3A_736 : memref<1x200x128xf32, #tpu.memory_space<vmem>> -> memref<200x128xf32, #tpu.memory_space<vmem>>
    %dma_start3A_738 = arith.constant 128 : i32
    %dma_start3A_739 = arith.constant 0 : i32
    %dma_start3A_740 = tpu.memref_slice %dma_start3A_737[%dma_start3A_738, %dma_start3A_739] : memref<200x128xf32, #tpu.memory_space<vmem>> -> memref<72x128xf32, #tpu.memory_space<vmem>>
    tpu.enqueue_dma source(%dma_start3A_740 : memref<72x128xf32, #tpu.memory_space<vmem>>) target(%dma_start3A_733 : memref<72x128xf32, #tpu.memory_space<hbm>>) target_semaphore(%arg16 : memref<!tpu.dma_semaphore, #tpu.memory_space<semaphore_mem>>)
    %dma_wait3A_741 = arith.constant 0 : i32
    %dma_wait3A_742 = arith.constant 0 : i32
    %dma_wait3A_743 = arith.constant 0 : i32
    %dma_wait3A_744 = tpu.memref_slice %arg8[%dma_wait3A_741, %dma_wait3A_742, %dma_wait3A_743] : memref<3x200x128xf32, #tpu.memory_space<vmem>> -> memref<1x200x128xf32, #tpu.memory_space<vmem>>
    %dma_wait3A_745 = tpu.memref_squeeze %dma_wait3A_744 : memref<1x200x128xf32, #tpu.memory_space<vmem>> -> memref<200x128xf32, #tpu.memory_space<vmem>>
    %dma_wait3A_746 = arith.constant 0 : i32
    %dma_wait3A_747 = arith.constant 0 : i32
    %dma_wait3A_748 = tpu.memref_slice %arg4[%dma_wait3A_746, %dma_wait3A_747] : memref<100000x128xf32, #tpu.memory_space<hbm>> -> memref<200x128xf32, #tpu.memory_space<hbm>>
    %dma_wait3A_749 = arith.constant 0 : i32
    %dma_wait3A_750 = arith.constant 0 : i32
    %dma_wait3A_751 = tpu.memref_slice %arg8[%dma_wait3A_741, %dma_wait3A_749, %dma_wait3A_750] : memref<3x200x128xf32, #tpu.memory_space<vmem>> -> memref<1x200x128xf32, #tpu.memory_space<vmem>>
    %dma_wait3A_752 = tpu.memref_squeeze %dma_wait3A_751 : memref<1x200x128xf32, #tpu.memory_space<vmem>> -> memref<200x128xf32, #tpu.memory_space<vmem>>
    %dma_wait3A_753 = arith.constant 0 : i32
    %dma_wait3A_754 = arith.constant 0 : i32
    %dma_wait3A_755 = tpu.memref_slice %arg4[%dma_wait3A_753, %dma_wait3A_754] : memref<100000x128xf32, #tpu.memory_space<hbm>> -> memref<200x128xf32, #tpu.memory_space<hbm>>
    tpu.wait_dma2 semaphore(%arg15 : memref<!tpu.dma_semaphore, #tpu.memory_space<semaphore_mem>>) src(%dma_wait3A_755 : memref<200x128xf32, #tpu.memory_space<hbm>>) dst(%dma_wait3A_752 : memref<200x128xf32, #tpu.memory_space<vmem>>)
    %dma_wait3A_756 = arith.constant 1 : i32
    %dma_wait3A_757 = arith.constant 0 : i32
    %dma_wait3A_758 = arith.constant 0 : i32
    %dma_wait3A_759 = tpu.memref_slice %arg8[%dma_wait3A_756, %dma_wait3A_757, %dma_wait3A_758] : memref<3x200x128xf32, #tpu.memory_space<vmem>> -> memref<1x200x128xf32, #tpu.memory_space<vmem>>
    %dma_wait3A_760 = tpu.memref_squeeze %dma_wait3A_759 : memref<1x200x128xf32, #tpu.memory_space<vmem>> -> memref<200x128xf32, #tpu.memory_space<vmem>>
    %dma_wait3A_761 = arith.constant 0 : i32
    %dma_wait3A_762 = arith.constant 0 : i32
    %dma_wait3A_763 = tpu.memref_slice %arg4[%dma_wait3A_761, %dma_wait3A_762] : memref<100000x128xf32, #tpu.memory_space<hbm>> -> memref<200x128xf32, #tpu.memory_space<hbm>>
    %dma_wait3A_764 = arith.constant 0 : i32
    %dma_wait3A_765 = arith.constant 0 : i32
    %dma_wait3A_766 = tpu.memref_slice %arg8[%dma_wait3A_756, %dma_wait3A_764, %dma_wait3A_765] : memref<3x200x128xf32, #tpu.memory_space<vmem>> -> memref<1x200x128xf32, #tpu.memory_space<vmem>>
    %dma_wait3A_767 = tpu.memref_squeeze %dma_wait3A_766 : memref<1x200x128xf32, #tpu.memory_space<vmem>> -> memref<200x128xf32, #tpu.memory_space<vmem>>
    %dma_wait3A_768 = arith.constant 0 : i32
    %dma_wait3A_769 = arith.constant 0 : i32
    %dma_wait3A_770 = tpu.memref_slice %arg4[%dma_wait3A_768, %dma_wait3A_769] : memref<100000x128xf32, #tpu.memory_space<hbm>> -> memref<200x128xf32, #tpu.memory_space<hbm>>
    tpu.wait_dma2 semaphore(%arg16 : memref<!tpu.dma_semaphore, #tpu.memory_space<semaphore_mem>>) src(%dma_wait3A_770 : memref<200x128xf32, #tpu.memory_space<hbm>>) dst(%dma_wait3A_767 : memref<200x128xf32, #tpu.memory_space<vmem>>)
    return
  }
}

</mosaic_0001>

<sc_bundles>
// kernel: _emb.3.cloned.1.call-start
scs
__scs_entry_jumppad:
0x0: {  	(pc) =	sbr.rel $0x88, $3  }
0x1: {  	(tag) =	ssettag $0x0;
	lr =	simm.s32 $0x1  }
0x2: {  	[smem:$0x3F9E] =	sst lr;
	_ =	strace $0xD0000000  }
0x3: {  	_ = 	snop  }
0x4: {  	_ = 	snop  }
0x5: {  	_ = 	snop  }
0x6: {  	_ = 	snop  }
0x7: {  	_ = 	snop  }
__scs_overlays_trampoline_lowered:
0x8: {  	[smem:$0x3FAD] =	sst s0  }
0x9: {  	[smem:$0x3FAE] =	sst s1  }
0xa: {  	[smem:$0x3FAF] =	sst s2  }
0xb: {  	[smem:$0x3FB0] =	sst s3  }
0xc: {  	[smem:$0x3FB1] =	sst s4  }
0xd: {  	[smem:$0x3FB2] =	sst s5  }
0xe: {  	[smem:$0x3FB3] =	sst s6  }
0xf: {  	[smem:$0x3FB4] =	sst s7  }
0x10: {  	[smem:$0x3FB5] =	sst s8  }
0x11: {  	[smem:$0x3FB6] =	sst s9;
	s0 =	simm.s32 @!p0 $0x0  }
0x12: {  	s1 =	sld [smem:$0x3F9C];
	s0 =	simm.s32 @p0 $0x1  }
0x13: {  	[smem:$0x3FB7] =	sst s0;
	s0 =	simm.s32 @!p1 $0x0  }
0x14: {  	s2 =	sld [smem:$0x3F9B];
	s0 =	simm.s32 @p1 $0x1  }
0x15: {  	[smem:$0x3FB8] =	sst s0;
	s0 =	simm.s32 @!p2 $0x0  }
0x16: {  	s3 =	sld [smem:$0x3FDB];
	s0 =	simm.s32 @p2 $0x1  }
0x17: {  	s4 =	simm.s32 $0x1BF5;
	[smem:$0x3FBA] =	sst s0  }
0x18: {  	s0 =	sld [smem:$0x3F9D];
	_ =	swait.ge [sflag:s4], $0x0  }
0x19: {  	s7 =	sld [smem:$0x3F9E]  }
0x1a: {  	s8 =	sadd.s32 $0xFFFFE003, lr  }
0x1b: {  	s9 =	sadd.s32 $0xFFFFFEF7, lr;
	s5 =	simm.s32 $0xFFFFFFFF;
	p2 =	slt.u32 s8, $0xFFFFF086  }
0x1c: {  	p1 =	slt.u32 s9, $0xF7A;
	s5 =	simm.s32 @!p2 $0x0  }
0x1d: {  	s5 =	simm.s32 @p1 $0x1;
	p0 =	seq.s32 s7, s2  }
0x1e: {  	s7 =	smul.u32 @!p0 $0xF7A, s2;
	p2 =	seq.s32 @!p0 s5, $0x0  }
0x1f: {  	s9 =	smul.u32 $0xF7A, s1;
	s8 =	simm.s32 @!p0 $0x1BF5;
	p2 =	por !p2, p0  }
0x20: {  	[sflag:s8] =	ssyncset.s32 @!p0 $0xFFFFF086;
	s6 =	sadd.s32 @!p0 s3, s7;
	s7 =	simm.s32 @!p0 $0x108  }
0x21: {  	s3 =	sadd.s32 s3, s9;
	s6 =	sadd.s32 @!p0 $0x88, s6;
	s7 =	simm.s32 @p2 $0x1082  }
0x22: {  	[simem:s7], [sflag:s8] =	dma.local @!p0 [hbm:s6], $0xF7A  }
0x23: {  	s9 =	sor.u32 $0xD0000000, s2;
	s6 =	simm.s32 $0x108;
	_ =	swait.ge @!p0 [sflag:s8], $0x0  }
0x24: {  	s3 =	sadd.s32 $0x88, s3;
	s6 =	simm.s32 @!p1 $0x1082;
	[sflag:s4] =	ssyncset.s32 $0xFFFFF086  }
0x25: {  	[simem:s6], [sflag:s4] =	dma.local [hbm:s3], $0xF7A  }
0x26: {  	[smem:$0x3F9E] =	sst s1;
	(tag) =	ssettag s2;
	_ =	strace s9  }
0x27: {  	s1 =	sld [smem:$0x3FAE]  }
0x28: {  	s2 =	sld [smem:$0x3FAF]  }
0x29: {  	s4 =	sld [smem:$0x3FB1]  }
0x2a: {  	p0 =	seq.s32 s5, $0x0;
	s5 =	sld [smem:$0x3FB2]  }
0x2b: {  	s6 =	sld [smem:$0x3FB3]  }
0x2c: {  	s7 =	sld [smem:$0x3FB4]  }
0x2d: {  	s3 =	simm.s32 $0x108;
	s8 =	sld [smem:$0x3FB5]  }
0x2e: {  	s3 =	simm.s32 @!p0 $0x1082;
	s9 =	sld [smem:$0x3FB6]  }
0x2f: {  	lr =	sadd.s32 s0, s3;
	s0 =	sld [smem:$0x3FAD]  }
0x30: {  	s3 =	sld [smem:$0x3FB0]  }
0x31: {  	[smem:$0x3FB9] =	sst s10  }
0x32: {  	s10 =	sld [smem:$0x3FB7];
	_ =	sdelay $0x3  }
0x33: {  	p0 =	seq.s32 s10, $0x1;
	s10 =	sld [smem:$0x3FB9];
	_ =	sdelay $0x3  }
0x34: {  	[smem:$0x3FB9] =	sst s10  }
0x35: {  	s10 =	sld [smem:$0x3FB8];
	_ =	sdelay $0x3  }
0x36: {  	p1 =	seq.s32 s10, $0x1;
	s10 =	sld [smem:$0x3FB9];
	_ =	sdelay $0x3  }
0x37: {  	[smem:$0x3FB9] =	sst s10  }
0x38: {  	s10 =	sld [smem:$0x3FBA]  }
0x39: {  	_ = 	snop;
	(pc) =	sbr.ind lr, $3  }
0x3a: {  	_ = 	snop  }
0x3b: {  	_ = 	snop  }
0x3c: {  	p2 =	seq.s32 s10, $0x1;
	s10 =	sld [smem:$0x3FB9]  }
0x3d: {  	_ =	shalt  }
0x3e: {  	_ =	shalt  }
0x3f: {  	_ =	shalt  }
0x40: {  	_ =	shalt  }
0x41: {  	_ =	shalt  }
0x42: {  	_ =	shalt  }
0x43: {  	_ =	shalt  }
0x44: {  	_ =	shalt  }
0x45: {  	_ =	shalt  }
0x46: {  	_ =	shalt  }
0x47: {  	_ =	shalt  }
0x48: {  	_ =	shalt  }
0x49: {  	_ =	shalt  }
0x4a: {  	_ =	shalt  }
0x4b: {  	_ =	shalt  }
0x4c: {  	_ =	shalt  }
0x4d: {  	_ =	shalt  }
0x4e: {  	_ =	shalt  }
0x4f: {  	_ =	shalt  }
0x50: {  	_ =	shalt  }
0x51: {  	_ =	shalt  }
0x52: {  	_ =	shalt  }
0x53: {  	_ =	shalt  }
0x54: {  	_ =	shalt  }
0x55: {  	_ =	shalt  }
0x56: {  	_ =	shalt  }
0x57: {  	_ =	shalt  }
0x58: {  	_ =	shalt  }
0x59: {  	_ =	shalt  }
0x5a: {  	_ =	shalt  }
0x5b: {  	_ =	shalt  }
0x5c: {  	_ =	shalt  }
0x5d: {  	_ =	shalt  }
0x5e: {  	_ =	shalt  }
0x5f: {  	_ =	shalt  }
0x60: {  	_ =	shalt  }
0x61: {  	_ =	shalt  }
0x62: {  	_ =	shalt  }
0x63: {  	_ =	shalt  }
0x64: {  	_ =	shalt  }
0x65: {  	_ =	shalt  }
0x66: {  	_ =	shalt  }
0x67: {  	_ =	shalt  }
0x68: {  	_ =	shalt  }
0x69: {  	_ =	shalt  }
0x6a: {  	_ =	shalt  }
0x6b: {  	_ =	shalt  }
0x6c: {  	_ =	shalt  }
0x6d: {  	_ =	shalt  }
0x6e: {  	_ =	shalt  }
0x6f: {  	_ =	shalt  }
0x70: {  	_ =	shalt  }
0x71: {  	_ =	shalt  }
0x72: {  	_ =	shalt  }
0x73: {  	_ =	shalt  }
0x74: {  	_ =	shalt  }
0x75: {  	_ =	shalt  }
0x76: {  	_ =	shalt  }
0x77: {  	_ =	shalt  }
0x78: {  	_ =	shalt  }
0x79: {  	_ =	shalt  }
0x7a: {  	_ =	shalt  }
0x7b: {  	_ =	shalt  }
0x7c: {  	_ =	shalt  }
0x7d: {  	_ =	shalt  }
0x7e: {  	_ =	shalt  }
0x7f: {  	_ =	shalt  }
0x80: {  	_ =	shalt  }
0x81: {  	_ =	shalt  }
0x82: {  	_ =	shalt  }
0x83: {  	_ =	shalt  }
0x84: {  	_ =	shalt  }
0x85: {  	_ =	shalt  }
0x86: {  	_ =	shalt  }
0x87: {  	_ =	shalt  }
.Lfunc_end0:
.L_simem_size_0:
called_computation_lowered:
.L_overlay_start_0:
0x88: {  	s2 =	sld [smem:$0x3FD9]  }
0x89: {  	s3 =	sld [smem:$0x3FFE];
	_ =	sdelay $0x1  }
0x8a: {  	s1 =	srdreg.scid  }
0x8b: {  	s0 =	sand.u32 $0x1, s1  }
0x8c: {  	s17 =	sshll.u32 s0, $0xA;
	s2 =	sadd.s32 s3, s2  }
0x8d: {  	s2 =	sadd.s32 s2, s17  }
0x8e: {  	[smem:$0x3FC5] =	sst s2  }
0x8f: {  	_ = 	snop  }
0x90: {  	s2 =	sld [smem:$0x3FC8]  }
0x91: {  	s18 =	sld [smem:$0x3FC7]  }
0x92: {  	s4 =	sld [smem:$0x3FD0];
	(tm) =	ssettm $0x1  }
0x93: {  	s5 =	sld [smem:$0x3FFB];
	_ =	sdelay $0x3  }
0x94: {  	_ =	strace s5  }
0x95: {  	s5 =	sld [smem:$0x3FFC];
	_ =	sdelay $0x3  }
0x96: {  	_ =	strace s5  }
0x97: {  	s5 =	sld [smem:$0x3FFD];
	_ =	sdelay $0x3  }
0x98: {  	_ =	strace s5  }
0x99: {  	_ =	strace $0x8FFFFFFF  }
0x9a: {  	s19 =	sld [smem:$0x3FDB];
	_ =	sdelay $0x1  }
0x9b: {  	s6 =	simm.s32 $_scs_section_size  }
0x9c: {  	s7 =	simm.s32 $_size__tile_overlayer_lowered;
	s8 =	simm.s32 $_tile_overlayer_lowered  }
0x9d: {  	s22 =	simm.s32 $0x1BFF;
	s21 =	sshll.u32 s8, $0x1;
	s5 =	sadd.s32 s6, s19  }
0x9e: {  	s9 =	simm.s32 $0x0;
	s20 =	sshll.u32 s7, $0x1;
	s7 =	sadd.s32 s21, s5  }
0x9f: {  	[timem:s9], [sflag:s22] =	dma.local [hbm:s7], s20  }
0xa0: {  	_ =	swait.ge [sflag:s22], s20  }
0xa1: {  	s6 =	ssub.s32 $0x0, s20;
	[sflag:s22] =	ssyncset.done $0x0  }
0xa2: {  	[sflag:s22] =	ssyncadd.s32 s6;
	_ =	sdelay $0x1  }
0xa3: {  	s23 =	simm.s32 $0x1B8B  }
0xa4: {  	_ =	swait.ge [sflag:s23], $0x1  }
0xa5: {  	[sflag:s23] =	ssyncset.done $0x0  }
0xa6: {  	s25 =	simm.s32 $0x1B8E;
	s24 =	sld [smem:$0x3FFE];
	[sflag:s23] =	ssyncadd.s32 $0xFFFFFFFF  }
0xa7: {  	s26 =	simm.s32 $execute0_lowered;
	[smem:$0x3FD2] =	sst s25  }
0xa8: {  	s7 =	sshll.u32 s26, $0x1;
	_ =	strace $0x80000046;
	[dreg:$0x1] =	wrdreg $0xFFFFFFFF  }
0xa9: {  	s28 =	simm.s32 $_size_execute0_lowered;
	s5 =	sadd.s32 s5, s7;
	[dreg:$0x0] =	wrdreg $0x0  }
0xaa: {  	s7 =	sshll.u32 s28, $0x1;
	[dreg:$0x2] =	wrdreg s5  }
0xab: {  	[dreg:$0x3] =	wrdreg s7  }
0xac: {  	[dreg:$0x4] =	wrdreg $0xC0  }
0xad: {  	_ =	task [dreg:s9], $0x5FFFF  }
0xae: {  	[dreg:$0x1] =	wrdreg $0xFFFFFFFF  }
0xaf: {  	[dreg:$0x0] =	wrdreg $0x60  }
0xb0: {  	[dreg:$0x2] =	wrdreg s24  }
0xb1: {  	[dreg:$0x3] =	wrdreg s2  }
0xb2: {  	[dreg:$0x4] =	wrdreg s18  }
0xb3: {  	[dreg:$0x5] =	wrdreg s4  }
0xb4: {  	[dreg:$0x6] =	wrdreg $0x9  }
0xb5: {  	_ =	task.clear_ibuf [dreg:s9], $0x7FFFF;
	_ =	strace $0x90000046  }
0xb6: {  	s29 =	simm.s32 $0x9;
	_ =	strace $0x80000048  }
0xb7: {  	_ =	swait.ge [sflag:s29], $0x1  }
0xb8: {  	[sflag:s29] =	ssyncadd.s32 $0xFFFFFFFF  }
0xb9: {  	_ =	strace $0x90000048  }
0xba: {  	_ =	sfence  }
0xbb: {  	s30 =	sld [smem:$0x0];
	_ =	sdelay $0x2  }
0xbc: {  	s31 =	sshll.u32 s1, $0xD;
	s1 =	sshrl.u32 s1, $0x2  }
0xbd: {  	s3 =	sand.u32 $0x4000, s31;
	s1 =	sadd.s32 s1, s30  }
0xbe: {  	s0 =	sor.u32 s3, s0;
	s1 =	sshll.u32 s1, $0x11  }
0xbf: {  	s0 =	sor.u32 s1, s0  }
0xc0: {  	s0 =	sadd.s32 $0x8F2B, s0  }
0xc1: {  	[sflag:s0] =	ssyncadd.remote.s32 $0x1  }
0xc2: {  	_ =	sfence.sel $0xFFFF  }
0xc3: {  	[dreg:$0x0] =	wrdreg $0xFFFFFFFF;
	(pc) =	sbr.abs _section_cstart, $3  }
0xc4: {  	[dreg:$0x1] =	wrdreg $0xFFFFFFFF  }
0xc5: {  	_ =	task.clear_ibuf [dreg:s9], $0x2FFFF;
	_ =	strace $0x9FFFFFFF  }
0xc6: {  	(tm) =	ssettm $0x7FFFFFFF  }
0xc7: {  	_ =	shalt  }
tec
execute0_lowered:
.L_overlay_start_1:
0x0: {  	(tag) =	ssettag $0x1  }
0x1: {  	s0 =	rddreg [dreg:$0x0]  }
0x2: {  	s3 =	rddreg [dreg:$0x2]  }
0x3: {  	s1 =	rddreg [dreg:$0x3]  }
0x4: {  	s2 =	srdreg.scid;
	s9 =	stileid.u32;
	s4 =	simm.s32 $0x0  }
0x5: {  	s14 =	simm.s32 $0xA;
	s15 =	simm.s32 $0x80;
	s16 =	simm.s32 $0x8400  }
0x6: {  	s17 =	simm.s32 $0x48;
	s19 =	simm.s32 $0xC400;
	s28 =	simm.s32 $0x14C00  }
0x7: {  	s30 =	simm.s32 $0x18C00;
	s31 =	simm.s32 $0x3;
	s18 =	simm.s32 $0x9  }
0x8: {  	s29 =	simm.s32 $0x0;
	s2 =	sand.u32 $0x1, s2;
	s5 =	sshll.u32 s9, $0x6  }
0x9: {  	[smem:$0x7FF] =	sst s4;
	s23 =	smul.u32 $0x32000, s9;
	s6 =	sshll.u32 s2, $0x5  }
0xa: {  	s7 =	ssub.s32 $0x2, s2;
	s2 =	smul.u32 $0x19000, s2;
	s5 =	sor.u32 s6, s5  }
0xb: {  	_ =	strace $0x80000047;
	s20 =	sshrl.u32 s7, $0x1;
	s8 =	smul.u32 $0xC80, s5  }
0xc: {  	s6 =	sshll.u32 s5, $0x5;
	s5 =	smul.u32 $0x6400, s5;
	s11 =	ssub.s32 s7, s20  }
0xd: {  	s20 =	simm.s32 $0x5;
	s0 =	sadd.s32 s6, s0;
	s25 =	smax.u32 s11, $0x1  }
0xe: {  	s0 =	sadd.s32 $0x400, s0;
	s21 =	sadd.s32 s1, s8;
	[dreg:$0x9] =	wrdreg s25  }
0xf: {  	s22 =	sshrl.u32 s5, $0x3;
	s25 =	simm.s32 $0x2;
	[dreg:$0x5] =	wrdreg s0  }
0x10: {  	[dreg:$0x6] =	wrdreg s21;
	s6 =	sadd.s32 $0xC80, s21;
	s0 =	sadd.s32 s1, s22  }
0x11: {  	s1 =	sadd.s32 s23, s1;
	s21 =	simm.s32 $0xE800;
	s23 =	simm.s32 $0x12800  }
0x12: {  	s22 =	simm.s32 $0x6;
	[dreg:$0x7] =	wrdreg s6;
	s24 =	sadd.s32 $0x1900, s0  }
0x13: {  	s9 =	sadd.s32 $0x17700, s0;
	s10 =	sadd.s32 $0x18380, s0;
	s26 =	sadd.s32 s2, s1  }
0x14: {  	s0 =	simm.s32 $0x4;
	s2 =	simm.s32 $0x7;
	[dreg:$0x8] =	wrdreg s24  }
0x15: {  	s12 =	sadd.s32 $0x2580, s26;
	s24 =	simm.s32 $0x1;
	s26 =	simm.s32 $0x8  }
.LBB2_1:
0x16: {  	s1 =	rddreg [dreg:$0x5];
	s5 =	simm.s32 $0x6400  }
0x17: {  	[tilespmem:s5], [sflag:$0xA] =	stream.linear.gather [hbm4b:s1+s4], $0x2000, $0x38;
	[tilespmem:$0x1B000] =	vst v63  }
0x18: {  	_ =	swait.ge [sflag:s14], $0x2000  }
0x19: {  	[sflag:s14] =	ssyncset.done $0x0  }
0x1a: {  	[sflag:s14] =	ssyncadd.s32 $0xFFFFE000  }
0x1b: {  	[tilespmem:s16], [sflag:$0x1] =	stream.indirect.gather [hbm4b:s3+s15], $0x80, s5, s15, $0xb8;
	[tilespmem:$0x1B000] =	vst v63  }
0x1c: {  	s6 =	simm.s32 $0x6800  }
0x1d: {  	[tilespmem:s19], [sflag:$0x2] =	stream.indirect.gather [hbm4b:s3+s17], $0x80, s6, s17, $0xb8;
	[tilespmem:$0x1B000] =	vst v63  }
0x1e: {  	s7 =	simm.s32 $0x6480  }
0x1f: {  	[tilespmem:s21], [sflag:$0x3] =	stream.indirect.gather [hbm4b:s3+s15], $0x80, s7, s15, $0xb8;
	[tilespmem:$0x1B000] =	vst v63  }
0x20: {  	s8 =	simm.s32 $0x6880  }
0x21: {  	[tilespmem:s23], [sflag:$0x4] =	stream.indirect.gather [hbm4b:s3+s17], $0x80, s8, s17, $0xb8;
	[tilespmem:$0x1B000] =	vst v63  }
0x22: {  	s11 =	rddreg [dreg:$0x1]  }
0x23: {  	[tilespmem:s4], [sflag:$0xA] =	stream.linear.gather [hbm4b:s11+s4], $0x6400, $0x38;
	[tilespmem:$0x1B000] =	vst v63  }
0x24: {  	_ =	swait.ge [sflag:s14], $0x6400  }
0x25: {  	[sflag:s14] =	ssyncset.done $0x0  }
0x26: {  	[sflag:s14] =	ssyncadd.s32 $0xFFFF9C00  }
0x27: {  	_ =	swait.ge [sflag:s24], $0x4000  }
0x28: {  	[sflag:s24] =	ssyncset.done $0x0  }
0x29: {  	s13 =	rddreg [dreg:$0x6];
	[sflag:s24] =	ssyncadd.s32 $0xFFFFC000  }
0x2a: {  	[hbm4b:s13+s4] =	stream.linear.scatter [tilespmem:s16], [sflag:$0x7], $0x4000, $0x38;
	[tilespmem:$0x1B000] =	vst v63  }
0x2b: {  	_ =	swait.ge [sflag:s25], $0x2400  }
0x2c: {  	[sflag:s25] =	ssyncset.done $0x0  }
0x2d: {  	s1 =	sadd.s32 $0x800, s13;
	[sflag:s25] =	ssyncadd.s32 $0xFFFFDC00  }
0x2e: {  	[hbm4b:s1+s4] =	stream.linear.scatter [tilespmem:s19], [sflag:$0x7], $0x2400, $0x38;
	[tilespmem:$0x1B000] =	vst v63  }
0x2f: {  	s5 =	simm.s32 $0x6500  }
0x30: {  	[tilespmem:s28], [sflag:$0x5] =	stream.indirect.gather [hbm4b:s3+s15], $0x80, s5, s15, $0xb8;
	[tilespmem:$0x1B000] =	vst v63  }
0x31: {  	s6 =	simm.s32 $0x6900  }
0x32: {  	[tilespmem:s30], [sflag:$0x6] =	stream.indirect.gather [hbm4b:s3+s17], $0x80, s6, s17, $0xb8;
	[tilespmem:$0x1B000] =	vst v63  }
0x33: {  	_ =	swait.ge [sflag:s31], $0x4000  }
0x34: {  	[sflag:s31] =	ssyncset.done $0x0  }
0x35: {  	s7 =	rddreg [dreg:$0x7];
	[sflag:s31] =	ssyncadd.s32 $0xFFFFC000  }
0x36: {  	[hbm4b:s7+s4] =	stream.linear.scatter [tilespmem:s21], [sflag:$0x8], $0x4000, $0x38;
	[tilespmem:$0x1B000] =	vst v63  }
0x37: {  	_ =	swait.ge [sflag:s0], $0x2400  }
0x38: {  	[sflag:s0] =	ssyncset.done $0x0  }
0x39: {  	s1 =	sadd.s32 $0x800, s7;
	[sflag:s0] =	ssyncadd.s32 $0xFFFFDC00  }
0x3a: {  	[hbm4b:s1+s4] =	stream.linear.scatter [tilespmem:s23], [sflag:$0x8], $0x2400, $0x38;
	[tilespmem:$0x1B000] =	vst v63  }
0x3b: {  	_ =	swait.ge [sflag:s2], $0x6400  }
0x3c: {  	[sflag:s2] =	ssyncset.done $0x0  }
0x3d: {  	s8 =	simm.s32 $0x6580;
	[sflag:s2] =	ssyncadd.s32 $0xFFFF9C00  }
0x3e: {  	[tilespmem:s16], [sflag:$0x1] =	stream.indirect.gather [hbm4b:s3+s15], $0x80, s8, s15, $0xb8;
	[tilespmem:$0x1B000] =	vst v63  }
0x3f: {  	s11 =	simm.s32 $0x6980  }
0x40: {  	[tilespmem:s19], [sflag:$0x2] =	stream.indirect.gather [hbm4b:s3+s17], $0x80, s11, s17, $0xb8;
	[tilespmem:$0x1B000] =	vst v63  }
0x41: {  	_ =	swait.ge [sflag:s20], $0x4000  }
0x42: {  	[sflag:s20] =	ssyncset.done $0x0  }
0x43: {  	s13 =	rddreg [dreg:$0x8];
	[sflag:s20] =	ssyncadd.s32 $0xFFFFC000  }
0x44: {  	[hbm4b:s13+s4] =	stream.linear.scatter [tilespmem:s28], [sflag:$0x9], $0x4000, $0x38;
	[tilespmem:$0x1B000] =	vst v63  }
0x45: {  	_ =	swait.ge [sflag:s22], $0x2400  }
0x46: {  	[sflag:s22] =	ssyncset.done $0x0  }
0x47: {  	s1 =	sadd.s32 $0x800, s13;
	[sflag:s22] =	ssyncadd.s32 $0xFFFFDC00  }
0x48: {  	[hbm4b:s1+s4] =	stream.linear.scatter [tilespmem:s30], [sflag:$0x9], $0x2400, $0x38;
	[tilespmem:$0x1B000] =	vst v63  }
0x49: {  	_ =	swait.ge [sflag:s26], $0x6400  }
0x4a: {  	[sflag:s26] =	ssyncset.done $0x0  }
0x4b: {  	s5 =	simm.s32 $0x6600;
	[sflag:s26] =	ssyncadd.s32 $0xFFFF9C00  }
0x4c: {  	[tilespmem:s21], [sflag:$0x3] =	stream.indirect.gather [hbm4b:s3+s15], $0x80, s5, s15, $0xb8;
	[tilespmem:$0x1B000] =	vst v63  }
0x4d: {  	s6 =	simm.s32 $0x6A00  }
0x4e: {  	[tilespmem:s23], [sflag:$0x4] =	stream.indirect.gather [hbm4b:s3+s17], $0x80, s6, s17, $0xb8;
	[tilespmem:$0x1B000] =	vst v63  }
0x4f: {  	_ =	swait.ge [sflag:s24], $0x4000  }
0x50: {  	[sflag:s24] =	ssyncset.done $0x0  }
0x51: {  	[sflag:s24] =	ssyncadd.s32 $0xFFFFC000  }
0x52: {  	[hbm4b:s12+s4] =	stream.linear.scatter [tilespmem:s16], [sflag:$0x7], $0x4000, $0x38;
	[tilespmem:$0x1B000] =	vst v63  }
0x53: {  	_ =	swait.ge [sflag:s25], $0x2400  }
0x54: {  	s7 =	simm.s32 $0x280;
	[sflag:s25] =	ssyncset.done $0x0  }
0x55: {  	s8 =	sadd.s32 $0x800, s12;
	s11 =	simm.s32 $0x500;
	[sflag:s25] =	ssyncadd.s32 $0xFFFFDC00  }
0x56: {  	[hbm4b:s8+s4] =	stream.linear.scatter [tilespmem:s19], [sflag:$0x7], $0x2400, $0x38;
	[tilespmem:$0x1B000] =	vst v63  }
0x57: {  	s13 =	sand.u32 $0x7800, s11;
	s1 =	sand.u32 $0x380, s7;
	_ =	swait.ge [sflag:s18], $0x6400  }
0x58: {  	s1 =	sor.u32 s1, s13;
	[sflag:s18] =	ssyncset.done $0x0  }
0x59: {  	s5 =	sadd.s32 $0x6400, s1;
	[sflag:s18] =	ssyncadd.s32 $0xFFFF9C00  }
0x5a: {  	[tilespmem:s28], [sflag:$0x5] =	stream.indirect.gather [hbm4b:s3+s15], $0x80, s5, s15, $0xb8;
	[tilespmem:$0x1B000] =	vst v63  }
0x5b: {  	s1 =	sadd.s32 $0x6800, s1  }
0x5c: {  	[tilespmem:s30], [sflag:$0x6] =	stream.indirect.gather [hbm4b:s3+s17], $0x80, s1, s17, $0xb8;
	[tilespmem:$0x1B000] =	vst v63  }
0x5d: {  	_ =	swait.ge [sflag:s31], $0x4000  }
0x5e: {  	[sflag:s31] =	ssyncset.done $0x0  }
0x5f: {  	s5 =	sadd.s32 $0xC80, s12;
	[sflag:s31] =	ssyncadd.s32 $0xFFFFC000  }
0x60: {  	[hbm4b:s5+s4] =	stream.linear.scatter [tilespmem:s21], [sflag:$0x8], $0x4000, $0x38;
	[tilespmem:$0x1B000] =	vst v63  }
0x61: {  	_ =	swait.ge [sflag:s0], $0x2400  }
0x62: {  	s7 =	sadd.s32 $0x1480, s12;
	[sflag:s0] =	ssyncset.done $0x0  }
0x63: {  	s6 =	simm.s32 $0x300;
	s8 =	simm.s32 $0x600;
	[sflag:s0] =	ssyncadd.s32 $0xFFFFDC00  }
0x64: {  	[hbm4b:s7+s4] =	stream.linear.scatter [tilespmem:s23], [sflag:$0x8], $0x2400, $0x38;
	[tilespmem:$0x1B000] =	vst v63  }
0x65: {  	s13 =	sand.u32 $0x7800, s8;
	s1 =	sand.u32 $0x380, s6;
	_ =	swait.ge [sflag:s2], $0x6400  }
0x66: {  	s1 =	sor.u32 s1, s13;
	[sflag:s2] =	ssyncset.done $0x0  }
0x67: {  	s5 =	sadd.s32 $0x6400, s1;
	[sflag:s2] =	ssyncadd.s32 $0xFFFF9C00  }
0x68: {  	[tilespmem:s16], [sflag:$0x1] =	stream.indirect.gather [hbm4b:s3+s15], $0x80, s5, s15, $0xb8;
	[tilespmem:$0x1B000] =	vst v63  }
0x69: {  	s1 =	sadd.s32 $0x6800, s1  }
0x6a: {  	[tilespmem:s19], [sflag:$0x2] =	stream.indirect.gather [hbm4b:s3+s17], $0x80, s1, s17, $0xb8;
	[tilespmem:$0x1B000] =	vst v63  }
0x6b: {  	_ =	swait.ge [sflag:s20], $0x4000  }
0x6c: {  	[sflag:s20] =	ssyncset.done $0x0  }
0x6d: {  	s6 =	sadd.s32 $0x1900, s12;
	[sflag:s20] =	ssyncadd.s32 $0xFFFFC000  }
0x6e: {  	[hbm4b:s6+s4] =	stream.linear.scatter [tilespmem:s28], [sflag:$0x9], $0x4000, $0x38;
	[tilespmem:$0x1B000] =	vst v63  }
0x6f: {  	_ =	swait.ge [sflag:s22], $0x2400  }
0x70: {  	s8 =	simm.s32 $0x700;
	[sflag:s22] =	ssyncset.done $0x0  }
0x71: {  	s13 =	sadd.s32 $0x2100, s12;
	s7 =	simm.s32 $0x380;
	[sflag:s22] =	ssyncadd.s32 $0xFFFFDC00  }
0x72: {  	[hbm4b:s13+s4] =	stream.linear.scatter [tilespmem:s30], [sflag:$0x9], $0x2400, $0x38;
	[tilespmem:$0x1B000] =	vst v63  }
0x73: {  	s5 =	sand.u32 $0x7800, s8;
	s1 =	sand.u32 $0x380, s7;
	_ =	swait.ge [sflag:s26], $0x6400  }
0x74: {  	s5 =	sor.u32 s1, s5;
	[sflag:s26] =	ssyncset.done $0x0  }
0x75: {  	s1 =	sadd.s32 $0x6400, s5;
	s11 =	sadd.s32 $0x6800, s5;
	[sflag:s26] =	ssyncadd.s32 $0xFFFF9C00  }
0x76: {  	[tilespmem:s21], [sflag:$0x3] =	stream.indirect.gather [hbm4b:s3+s15], $0x80, s1, s15, $0xb8;
	[tilespmem:$0x1B000] =	vst v63  }
0x77: {  	s5 =	sadd.s32 $0x2580, s12;
	s13 =	simm.s32 $0xA00;
	s1 =	simm.s32 $0x500  }
.LBB2_2:
0x78: {  	[tilespmem:s23], [sflag:$0x4] =	stream.indirect.gather [hbm4b:s3+s17], $0x80, s11, s17, $0xb8;
	[tilespmem:$0x1B000] =	vst v63  }
0x79: {  	s11 =	smov.u32 s1  }
0x7a: {  	p0 =	sne.s32 s1, $0xF80;
	s1 =	sadd.s32 $0x180, s1;
	_ =	swait.ge [sflag:s24], $0x4000  }
0x7b: {  	[sflag:s24] =	ssyncset.done $0x0  }
0x7c: {  	[sflag:s24] =	ssyncadd.s32 $0xFFFFC000  }
0x7d: {  	[hbm4b:s5+s4] =	stream.linear.scatter [tilespmem:s16], [sflag:$0x7], $0x4000, $0x38;
	[tilespmem:$0x1B000] =	vst v63  }
0x7e: {  	_ =	swait.ge [sflag:s25], $0x2400  }
0x7f: {  	s7 =	sadd.s32 $0xFFFFFF00, s11;
	[sflag:s25] =	ssyncset.done $0x0  }
0x80: {  	s6 =	sadd.s32 $0x800, s5;
	s8 =	sadd.s32 $0xFFFFFE00, s13;
	[sflag:s25] =	ssyncadd.s32 $0xFFFFDC00  }
0x81: {  	[hbm4b:s6+s4] =	stream.linear.scatter [tilespmem:s19], [sflag:$0x7], $0x2400, $0x38;
	[tilespmem:$0x1B000] =	vst v63  }
0x82: {  	s7 =	sand.u32 $0x380, s7;
	s6 =	sand.u32 $0x7800, s8;
	_ =	swait.ge [sflag:s18], $0x6400  }
0x83: {  	s6 =	sor.u32 s7, s6;
	[sflag:s18] =	ssyncset.done $0x0  }
0x84: {  	s7 =	sadd.s32 $0x6400, s6;
	[sflag:s18] =	ssyncadd.s32 $0xFFFF9C00  }
0x85: {  	[tilespmem:s28], [sflag:$0x5] =	stream.indirect.gather [hbm4b:s3+s15], $0x80, s7, s15, $0xb8;
	[tilespmem:$0x1B000] =	vst v63  }
0x86: {  	s6 =	sadd.s32 $0x6800, s6  }
0x87: {  	[tilespmem:s30], [sflag:$0x6] =	stream.indirect.gather [hbm4b:s3+s17], $0x80, s6, s17, $0xb8;
	[tilespmem:$0x1B000] =	vst v63  }
0x88: {  	_ =	swait.ge [sflag:s31], $0x4000  }
0x89: {  	[sflag:s31] =	ssyncset.done $0x0  }
0x8a: {  	s6 =	sadd.s32 $0xC80, s5;
	[sflag:s31] =	ssyncadd.s32 $0xFFFFC000  }
0x8b: {  	[hbm4b:s6+s4] =	stream.linear.scatter [tilespmem:s21], [sflag:$0x8], $0x4000, $0x38;
	[tilespmem:$0x1B000] =	vst v63  }
0x8c: {  	_ =	swait.ge [sflag:s0], $0x2400  }
0x8d: {  	s6 =	sadd.s32 $0xFFFFFF80, s11;
	[sflag:s0] =	ssyncset.done $0x0  }
0x8e: {  	s8 =	sadd.s32 $0xFFFFFF00, s13;
	s7 =	sadd.s32 $0x1480, s5;
	[sflag:s0] =	ssyncadd.s32 $0xFFFFDC00  }
0x8f: {  	[hbm4b:s7+s4] =	stream.linear.scatter [tilespmem:s23], [sflag:$0x8], $0x2400, $0x38;
	[tilespmem:$0x1B000] =	vst v63  }
0x90: {  	s6 =	sand.u32 $0x380, s6;
	s7 =	sand.u32 $0x7800, s8;
	_ =	swait.ge [sflag:s2], $0x6400  }
0x91: {  	s6 =	sor.u32 s6, s7;
	[sflag:s2] =	ssyncset.done $0x0  }
0x92: {  	s7 =	sadd.s32 $0x6400, s6;
	[sflag:s2] =	ssyncadd.s32 $0xFFFF9C00  }
0x93: {  	[tilespmem:s16], [sflag:$0x1] =	stream.indirect.gather [hbm4b:s3+s15], $0x80, s7, s15, $0xb8;
	[tilespmem:$0x1B000] =	vst v63  }
0x94: {  	s6 =	sadd.s32 $0x6800, s6  }
0x95: {  	[tilespmem:s19], [sflag:$0x2] =	stream.indirect.gather [hbm4b:s3+s17], $0x80, s6, s17, $0xb8;
	[tilespmem:$0x1B000] =	vst v63  }
0x96: {  	_ =	swait.ge [sflag:s20], $0x4000  }
0x97: {  	[sflag:s20] =	ssyncset.done $0x0  }
0x98: {  	s6 =	sadd.s32 $0x1900, s5;
	[sflag:s20] =	ssyncadd.s32 $0xFFFFC000  }
0x99: {  	[hbm4b:s6+s4] =	stream.linear.scatter [tilespmem:s28], [sflag:$0x9], $0x4000, $0x38;
	[tilespmem:$0x1B000] =	vst v63  }
0x9a: {  	_ =	swait.ge [sflag:s22], $0x2400  }
0x9b: {  	[sflag:s22] =	ssyncset.done $0x0  }
0x9c: {  	s7 =	sand.u32 $0x380, s11;
	s6 =	sadd.s32 $0x2100, s5;
	[sflag:s22] =	ssyncadd.s32 $0xFFFFDC00  }
0x9d: {  	[hbm4b:s6+s4] =	stream.linear.scatter [tilespmem:s30], [sflag:$0x9], $0x2400, $0x38;
	[tilespmem:$0x1B000] =	vst v63  }
.Ltmp0:
0x9e: {  	s6 =	sand.u32 $0x7800, s13;
	_ =	swait.ge [sflag:s26], $0x6400;
	(pc) =	sbr.rel @p0 .LBB2_2-.Ltmp0, $4  }
0x9f: {  	s6 =	sor.u32 s7, s6;
	[sflag:s26] =	ssyncset.done $0x0  }
0xa0: {  	s7 =	sadd.s32 $0x6400, s6;
	[sflag:s26] =	ssyncadd.s32 $0xFFFF9C00  }
0xa1: {  	[tilespmem:s21], [sflag:$0x3] =	stream.indirect.gather [hbm4b:s3+s15], $0x80, s7, s15, $0xb8;
	[tilespmem:$0x1B000] =	vst v63  }
0xa2: {  	s5 =	sadd.s32 $0x2580, s5;
	s13 =	sadd.s32 $0x300, s13;
	s11 =	sadd.s32 $0x6800, s6  }
0xa3: {  	[tilespmem:s23], [sflag:$0x4] =	stream.indirect.gather [hbm4b:s3+s17], $0x80, s11, s17, $0xb8;
	[tilespmem:$0x1B000] =	vst v63  }
0xa4: {  	_ =	swait.ge [sflag:s24], $0x4000  }
0xa5: {  	[sflag:s24] =	ssyncset.done $0x0  }
0xa6: {  	[sflag:s24] =	ssyncadd.s32 $0xFFFFC000  }
0xa7: {  	[hbm4b:s9+s4] =	stream.linear.scatter [tilespmem:s16], [sflag:$0x7], $0x4000, $0x38;
	[tilespmem:$0x1B000] =	vst v63  }
0xa8: {  	_ =	swait.ge [sflag:s25], $0x2400  }
0xa9: {  	[sflag:s25] =	ssyncset.done $0x0  }
0xaa: {  	s1 =	sadd.s32 $0x800, s9;
	[sflag:s25] =	ssyncadd.s32 $0xFFFFDC00  }
0xab: {  	[hbm4b:s1+s4] =	stream.linear.scatter [tilespmem:s19], [sflag:$0x7], $0x2400, $0x38;
	[tilespmem:$0x1B000] =	vst v63  }
0xac: {  	_ =	swait.ge [sflag:s18], $0x6400  }
0xad: {  	[sflag:s18] =	ssyncset.done $0x0  }
0xae: {  	[sflag:s18] =	ssyncadd.s32 $0xFFFF9C00  }
0xaf: {  	_ =	swait.ge [sflag:s31], $0x4000  }
0xb0: {  	[sflag:s31] =	ssyncset.done $0x0  }
0xb1: {  	[sflag:s31] =	ssyncadd.s32 $0xFFFFC000  }
0xb2: {  	[hbm4b:s10+s4] =	stream.linear.scatter [tilespmem:s21], [sflag:$0x8], $0x4000, $0x38;
	[tilespmem:$0x1B000] =	vst v63  }
0xb3: {  	_ =	swait.ge [sflag:s0], $0x2400  }
0xb4: {  	[sflag:s0] =	ssyncset.done $0x0  }
0xb5: {  	s11 =	sadd.s32 $0x800, s10;
	[sflag:s0] =	ssyncadd.s32 $0xFFFFDC00  }
0xb6: {  	[hbm4b:s11+s4] =	stream.linear.scatter [tilespmem:s23], [sflag:$0x8], $0x2400, $0x38;
	[tilespmem:$0x1B000] =	vst v63  }
0xb7: {  	_ =	swait.ge [sflag:s2], $0x6400  }
0xb8: {  	[sflag:s2] =	ssyncset.done $0x0  }
0xb9: {  	[sflag:s2] =	ssyncadd.s32 $0xFFFF9C00  }
0xba: {  	_ =	swait.ge [sflag:s26], $0x6400  }
0xbb: {  	s29 =	sadd.s32 $0x1, s29;
	s13 =	rddreg [dreg:$0x9]  }
0xbc: {  	p0 =	sne.s32 s29, s13  }
.Ltmp1:
0xbd: {  	_ = 	snop;
	(pc) =	sbr.rel @p0 .LBB2_1-.Ltmp1, $3  }
0xbe: {  	_ =	sdelay $0x1  }
0xbf: {  	[sflag:s26] =	ssyncset.done $0x0  }
0xc0: {  	[sflag:s26] =	ssyncadd.s32 $0xFFFF9C00  }
0xc1: {  	_ =	sfence.sel $0x180000  }
0xc2: {  	[bflag:$0x0] =	sbarrier.arrive $0xFFFF  }
0xc3: {  	_ =	strace $0x90000047  }
0xc4: {  	s0 =	stileid.u32;
	[bflag:$0x2] =	sbarrier.arrive $0xFFFF  }
0xc5: {  	p0 =	sne.s32 s0, $0x0;
	s0 =	rddreg [dreg:$0x4]  }
0xc6: {  	s0 =	sadd.s32 @!p0 $0x100000, s0  }
0xc7: {  	[sflag:s0] =	ssyncadd.tile.s32 @!p0 $0x1;
	_ =	shalt  }
.Lfunc_end2:
_tile_overlayer_lowered:
.L_overlay_start_2:
0xc8: {  	(tag) =	ssettag $0x2  }
0xc9: {  	s0 =	rddreg [dreg:$0x0];
	s2 =	stileid.u32  }
0xca: {  	s1 =	rddreg [dreg:$0x1];
	p0 =	sne.s32 s2, $0x0  }
0xcb: {  	s3 =	rddreg [dreg:$0x2];
	[bflag:$0x3] =	sbarrier.arrive $0xFFFF;
	s2 =	simm.s32 @!p0 $0x1C0A  }
0xcc: {  	[timem:s3], [sflag:s2] =	dma.local @!p0 [hbm:s0], s1  }
0xcd: {  	s0 =	simm.s32 @!p0 $0xA  }
0xce: {  	_ =	swait.ge @!p0 [sflag:s0], s1  }
0xcf: {  	s1 =	ssub.s32 @!p0 $0x0, s1;
	[sflag:s0] =	ssyncset.done @!p0 $0x0  }
0xd0: {  	[sflag:s0] =	ssyncadd.s32 @!p0 s1  }
0xd1: {  	[bflag:$0x3] =	sbarrier.arrive $0xFFFF  }
0xd2: {  	_ =	shalt  }

</sc_bundles>
